<compile_context>
chip_gen: v7x
topology: tpu7x:2x2x1
jax: 0.10.2.dev20260603
libtpu: 0.0.44.dev20260713+nightly
codegen_flags: <defaults>
</compile_context>

<pallas_src>
import functools

import jax
import jax.numpy as jnp
from jax import lax
from jax.experimental import pallas as pl
from jax.experimental.pallas import tpu as pltpu, tpu_sc as plsc

N_OUT = 100000
N_IN = 50000
D = 128
L = 16
NC = 2
NS = 16
NW = NC * NS
ROWS_PER_W = N_OUT // NW
WPAD = 3136
CHUNK = 128
NCHUNKS = WPAD // CHUNK + 1

_mesh = plsc.VectorSubcoreMesh(core_axis_name="c", subcore_axis_name="s")


@functools.partial(
    pl.kernel,
    out_type=jax.ShapeDtypeStruct((N_OUT, D), jnp.float32),
    mesh=_mesh,
    compiler_params=pltpu.CompilerParams(needs_layout_passes=False),
    scratch_types=[
        pltpu.VMEM((N_IN,), jnp.int32),
        pltpu.VMEM((WPAD,), jnp.int32),
        pltpu.VMEM((NCHUNKS, CHUNK), jnp.int32),
        pltpu.VMEM((NCHUNKS, CHUNK), jnp.int32),
        pltpu.VMEM((NCHUNKS, CHUNK), jnp.int32),
        pltpu.VMEM((3, CHUNK, D), jnp.float32),
        pltpu.VMEM((CHUNK, D), jnp.float32),
        pltpu.SemaphoreType.DMA,
        pltpu.SemaphoreType.DMA((3,)),
        pltpu.SemaphoreType.DMA,
        pltpu.SemaphoreType.DMA,
    ],
)
def _unpool_sc(h_hbm, idx_hbm, out_hbm, idx_v, winner, jw, gw, ju,
               rb, zerobuf, sem_i, sem_g, sem_s, sem_z):
    wid = lax.axis_index("s") * NC + lax.axis_index("c")
    lo = wid * ROWS_PER_W
    iota = lax.iota(jnp.int32, L)
    zeros_i = jnp.zeros((L,), jnp.int32)
    ones_i = jnp.ones((L,), jnp.int32)
    zeros_f = jnp.zeros((L,), jnp.float32)

    idx_dma = pltpu.async_copy(idx_hbm, idx_v, sem_i)

    def _zw(k, c):
        winner[pl.ds(k * L, L)] = zeros_i
        return c
    lax.fori_loop(0, WPAD // L, _zw, 0)

    def _zb(t, c):
        zerobuf[t >> 3, pl.ds((t & 7) * L, L)] = zeros_f
        return c
    lax.fori_loop(0, CHUNK * D // L, _zb, 0)
    idx_dma.wait()

    iota1 = iota + 1
    NV = N_IN // L
    G = 5
    NP = NV // G

    def _compute(v, k):
        inr = (v >= lo) & (v < lo + ROWS_PER_W)
        return (v - lo, k * L + iota1, inr)

    def _scan(p, carry):
        vs = [idx_v[pl.ds((G * p + b) * L, L)] for b in range(G)]
        for b in range(G):
            lj, val, inr = carry[3 * b:3 * b + 3]
            plsc.store_scatter(winner, [lj], val, mask=inr)
        out = ()
        for b in range(G):
            out = out + _compute(vs[b], G * p + b)
        return out
    carry0 = ()
    for b in range(G):
        carry0 = carry0 + _compute(idx_v[pl.ds(b * L, L)], b)
    carry_z = lax.fori_loop(1, NP, _scan, carry0)
    for b in range(G):
        lj, val, inr = carry_z[3 * b:3 * b + 3]
        plsc.store_scatter(winner, [lj], val, mask=inr)

    iotap = iota + 1

    def _compact(k, carry):
        nw, nu = carry
        w = winner[pl.ds(k * L, L)]
        pos = k * L + iota
        rem = ROWS_PER_W - k * L
        valid = pos < ROWS_PER_W
        jg = lo + pos
        mw = (w > 0) & valid
        mu = (w == 0) & valid
        cw = plsc.cumsum(jnp.where(mw, ones_i, zeros_i))
        pv = jnp.minimum(iotap, rem)
        cu = pv - cw
        offw = nw + cw - 1
        offu = nu + cu - 1
        plsc.store_scatter(jw, [offw >> 7, offw & 127], jg, mask=mw)
        plsc.store_scatter(gw, [offw >> 7, offw & 127], w - 1, mask=mw)
        plsc.store_scatter(ju, [offu >> 7, offu & 127], jg, mask=mu)
        tw = cw[15]
        vc = jnp.minimum(jnp.int32(L), rem)
        return nw + tw, nu + (vc - tw)
    nw, nu = lax.fori_loop(0, WPAD // L, _compact,
                           (jnp.int32(0), jnp.int32(0)))

    def _pad(buf, n):
        head = buf[0, pl.ds(0, L)]
        splat = head.at[zeros_i].get(mode="promise_in_bounds")
        last = ((n + CHUNK - 1) >> 7) - 1

        def _fix(t, c):
            base = last * CHUNK + t * L
            cur = buf[last, pl.ds(t * L, L)]
            buf[last, pl.ds(t * L, L)] = jnp.where(base + iota < n, cur, splat)
            return c

        @pl.when((n > 0) & ((n & 127) != 0))
        def _():
            lax.fori_loop(0, CHUNK // L, _fix, 0)

    _pad(ju, nu)
    nuc = (nu + CHUNK - 1) >> 7

    def _zfire(c, carry):
        pltpu.async_copy(zerobuf, out_hbm.at[ju.at[c]], sem_z)
        return carry
    lax.fori_loop(0, nuc, _zfire, 0)

    _pad(jw, nw)
    _pad(gw, nw)
    nwc = (nw + CHUNK - 1) >> 7

    @pl.when(nwc > 0)
    def _():
        pltpu.async_copy(h_hbm.at[gw.at[0]], rb.at[0], sem_g.at[0])

    @pl.when(nwc > 1)
    def _():
        pltpu.async_copy(h_hbm.at[gw.at[1]], rb.at[1], sem_g.at[1])

    def _move(c, carry):
        r = c % 3
        rp = (c + 2) % 3
        pltpu.make_async_copy(h_hbm.at[gw.at[c]], rb.at[r],
                              sem_g.at[r]).wait()

        @pl.when(c > 0)
        def _():
            pltpu.make_async_copy(rb.at[rp], out_hbm.at[jw.at[c - 1]],
                                  sem_s).wait()

        @pl.when(c + 2 < nwc)
        def _():
            pltpu.async_copy(h_hbm.at[gw.at[c + 2]], rb.at[rp],
                             sem_g.at[rp])
        pltpu.async_copy(rb.at[r], out_hbm.at[jw.at[c]], sem_s)
        return carry
    lax.fori_loop(0, nwc, _move, 0)

    @pl.when(nwc > 0)
    def _():
        pltpu.make_async_copy(rb.at[(nwc - 1) % 3],
                              out_hbm.at[jw.at[nwc - 1]], sem_s).wait()

    def _zdrain(c, carry):
        pltpu.make_async_copy(zerobuf, out_hbm.at[ju.at[c]], sem_z).wait()
        return carry
    lax.fori_loop(0, nuc, _zdrain, 0)


def kernel(node_nums, h, idx):
    return _unpool_sc(h, idx)

# --- scband reference (transcript-rebuilt; emitter-appended) ---
"""Pipeline reference for scband-unpool-76570676953493 (READ-ONLY COPY).

The authoritative reference and input builder live on the scoring server;
editing this copy changes nothing except your own understanding.
"""

import jax, jax.numpy as jnp
import numpy as np


def setup_inputs(seed: int = 0) -> dict:
    key = jax.random.key(seed)
    k1, k2 = jax.random.split(key)
    node_nums = 100000
    h = jax.random.normal(k1, (50000, 128), dtype=jnp.float32)
    idx = jax.random.randint(k2, (50000,), 0, node_nums, dtype=jnp.int64 if jax.config.jax_enable_x64 else jnp.int32).astype(jnp.int32)
    return {"node_nums": node_nums, "h": h, "idx": idx}


def reference(node_nums, h, idx):
    # new_h = zeros([node_nums, h.shape[1]]); new_h[idx] = h  (scatter-overwrite)
    static_node_nums = 100000
    zero = (jnp.asarray(node_nums) - static_node_nums).astype(h.dtype)
    new_h = jnp.zeros((static_node_nums, h.shape[1]), dtype=h.dtype) + zero
    new_h = new_h.at[idx].set(h)
    return new_h

if __name__ == "__main__":
    import jax
    _d = setup_inputs()
    print(jax.jit(kernel)(*tuple(_d.values())))

</pallas_src>

<mosaic_0001>
#map = affine_map<(d0, d1) -> (0, 0)>
#map1 = affine_map<(d0, d1) -> (0)>
module attributes {stable_mosaic.version = 14 : i64} {
  func.func @_unpool_sc(%arg0: i32, %arg1: i32, %arg2: memref<50000x128xf32, #tpu.memory_space<hbm>>, %arg3: memref<50000xi32, #tpu.memory_space<hbm>>, %arg4: memref<100000x128xf32, #tpu.memory_space<hbm>>, %arg5: memref<50000xi32, #tpu.memory_space<vmem>>, %arg6: memref<3136xi32, #tpu.memory_space<vmem>>, %arg7: memref<25x128xi32, #tpu.memory_space<vmem>>, %arg8: memref<25x128xi32, #tpu.memory_space<vmem>>, %arg9: memref<25x128xi32, #tpu.memory_space<vmem>>, %arg10: memref<3x128x128xf32, #tpu.memory_space<vmem>>, %arg11: memref<128x128xf32, #tpu.memory_space<vmem>>, %arg12: memref<!tpu.dma_semaphore, #tpu.memory_space<semaphore_mem>>, %arg13: memref<3x!tpu.dma_semaphore, #tpu.memory_space<semaphore_mem>>, %arg14: memref<!tpu.dma_semaphore, #tpu.memory_space<semaphore_mem>>, %arg15: memref<!tpu.dma_semaphore, #tpu.memory_space<semaphore_mem>>) attributes {dimension_semantics = [#tpu.dimension_semantics<core_parallel>, #tpu.dimension_semantics<subcore_parallel>], iteration_bounds = array<i64: 2, 16>, scalar_prefetch = 0 : i64, scratch_operands = 11 : i64, tpu.core_type = #tpu.core_type<sc_vector_subcore>, window_params = [{transform_indices = #map}, {transform_indices = #map1}, {transform_indices = #map}]} {
    %mul3A = arith.constant 2 : i32
    %mul3A_0 = arith.muli %arg1, %mul3A : i32
    %add3A = arith.addi %mul3A_0, %arg0 : i32
    %mul3A_1 = arith.constant 3125 : i32
    %mul3A_2 = arith.muli %add3A, %mul3A_1 : i32
    %iota3A = tpu.iota {dimensions = array<i32: 0>} : vector<16xi32>
    %broadcast_in_dim3A = arith.constant 0 : i32
    %broadcast_in_dim3A_3 = vector.broadcast %broadcast_in_dim3A : i32 to vector<16xi32>
    %broadcast_in_dim3A_4 = arith.constant 1 : i32
    %broadcast_in_dim3A_5 = vector.broadcast %broadcast_in_dim3A_4 : i32 to vector<16xi32>
    %broadcast_in_dim3A_6 = arith.constant 0.000000e+00 : f32
    %broadcast_in_dim3A_7 = vector.broadcast %broadcast_in_dim3A_6 : f32 to vector<16xf32>
    tpu.enqueue_dma source(%arg3 : memref<50000xi32, #tpu.memory_space<hbm>>) target(%arg5 : memref<50000xi32, #tpu.memory_space<vmem>>) target_semaphore(%arg12 : memref<!tpu.dma_semaphore, #tpu.memory_space<semaphore_mem>>)
    %scan3A = arith.constant 0 : i32
    %scan3A_8 = arith.constant 0 : i32
    %scan3A_9 = arith.constant 196 : i32
    %scan3A_10 = arith.addi %scan3A_8, %scan3A_9 : i32
    %scan3A_11 = arith.constant 1 : i32
    scf.for %scan3A_249 = %scan3A_8 to %scan3A_10 step %scan3A_11  : i32 {
      %mul3A_250 = arith.constant 16 : i32
      %mul3A_251 = arith.muli %scan3A_249, %mul3A_250 : i32
      %swap3A = arith.index_cast %mul3A_251 : i32 to index
      %swap3A_252 = tpu.vector_load %arg6[%swap3A] {strides = array<i32>} : memref<3136xi32, #tpu.memory_space<vmem>>, vector<16xi32>,
      tpu.vector_store %arg6[%swap3A], %broadcast_in_dim3A_3 {strides = array<i32>} : memref<3136xi32, #tpu.memory_space<vmem>>, vector<16xi32>,
    }
    %scan3A_12 = arith.constant 196 : i32
    %scan3A_13 = arith.constant 0 : i32
    %scan3A_14 = arith.constant 0 : i32
    %scan3A_15 = arith.constant 1024 : i32
    %scan3A_16 = arith.addi %scan3A_14, %scan3A_15 : i32
    %scan3A_17 = arith.constant 1 : i32
    scf.for %scan3A_249 = %scan3A_14 to %scan3A_16 step %scan3A_17  : i32 {
      %shift_right_arithmetic3A_250 = arith.constant 3 : i32
      %shift_right_arithmetic3A_251 = arith.shrsi %scan3A_249, %shift_right_arithmetic3A_250 : i32
      %and3A_252 = arith.constant 7 : i32
      %and3A_253 = arith.andi %scan3A_249, %and3A_252 : i32
      %mul3A_254 = arith.constant 16 : i32
      %mul3A_255 = arith.muli %and3A_253, %mul3A_254 : i32
      %swap3A = arith.index_cast %shift_right_arithmetic3A_251 : i32 to index
      %swap3A_256 = arith.index_cast %mul3A_255 : i32 to index
      %swap3A_257 = tpu.vector_load %arg11[%swap3A, %swap3A_256] {strides = array<i32>} : memref<128x128xf32, #tpu.memory_space<vmem>>, vector<16xf32>,
      tpu.vector_store %arg11[%swap3A, %swap3A_256], %broadcast_in_dim3A_7 {strides = array<i32>} : memref<128x128xf32, #tpu.memory_space<vmem>>, vector<16xf32>,
    }
    %scan3A_18 = arith.constant 1024 : i32
    tpu.wait_dma2 semaphore(%arg12 : memref<!tpu.dma_semaphore, #tpu.memory_space<semaphore_mem>>) src(%arg3 : memref<50000xi32, #tpu.memory_space<hbm>>) dst(%arg5 : memref<50000xi32, #tpu.memory_space<vmem>>)
    %add3A_19 = arith.constant 1 : i32
    %add3A_20 = vector.broadcast %add3A_19 : i32 to vector<16xi32>
    %add3A_21 = arith.addi %iota3A, %add3A_20 : vector<16xi32>
    %get3A = arith.constant 0 : index
    %get3A_22 = tpu.vector_load %arg5[%get3A] {strides = array<i32>} : memref<50000xi32, #tpu.memory_space<vmem>>, vector<16xi32>,
    %ge3A = vector.broadcast %mul3A_2 : i32 to vector<16xi32>
    %ge3A_23 = arith.cmpi sge, %get3A_22, %ge3A : vector<16xi32>
    %add3A_24 = arith.constant 3125 : i32
    %add3A_25 = arith.addi %mul3A_2, %add3A_24 : i32
    %lt3A = vector.broadcast %add3A_25 : i32 to vector<16xi32>
    %lt3A_26 = arith.cmpi slt, %get3A_22, %lt3A : vector<16xi32>
    %and3A = arith.andi %ge3A_23, %lt3A_26 : vector<16xi1>
    %sub3A = vector.broadcast %mul3A_2 : i32 to vector<16xi32>
    %sub3A_27 = arith.subi %get3A_22, %sub3A : vector<16xi32>
    %add3A_28 = arith.constant 0 : i32
    %add3A_29 = vector.broadcast %add3A_28 : i32 to vector<16xi32>
    %add3A_30 = arith.addi %add3A_29, %add3A_21 : vector<16xi32>
    %get3A_31 = arith.constant 16 : index
    %get3A_32 = tpu.vector_load %arg5[%get3A_31] {strides = array<i32>} : memref<50000xi32, #tpu.memory_space<vmem>>, vector<16xi32>,
    %ge3A_33 = vector.broadcast %mul3A_2 : i32 to vector<16xi32>
    %ge3A_34 = arith.cmpi sge, %get3A_32, %ge3A_33 : vector<16xi32>
    %add3A_35 = arith.constant 3125 : i32
    %add3A_36 = arith.addi %mul3A_2, %add3A_35 : i32
    %lt3A_37 = vector.broadcast %add3A_36 : i32 to vector<16xi32>
    %lt3A_38 = arith.cmpi slt, %get3A_32, %lt3A_37 : vector<16xi32>
    %and3A_39 = arith.andi %ge3A_34, %lt3A_38 : vector<16xi1>
    %sub3A_40 = vector.broadcast %mul3A_2 : i32 to vector<16xi32>
    %sub3A_41 = arith.subi %get3A_32, %sub3A_40 : vector<16xi32>
    %add3A_42 = arith.constant 16 : i32
    %add3A_43 = vector.broadcast %add3A_42 : i32 to vector<16xi32>
    %add3A_44 = arith.addi %add3A_43, %add3A_21 : vector<16xi32>
    %get3A_45 = arith.constant 32 : index
    %get3A_46 = tpu.vector_load %arg5[%get3A_45] {strides = array<i32>} : memref<50000xi32, #tpu.memory_space<vmem>>, vector<16xi32>,
    %ge3A_47 = vector.broadcast %mul3A_2 : i32 to vector<16xi32>
    %ge3A_48 = arith.cmpi sge, %get3A_46, %ge3A_47 : vector<16xi32>
    %add3A_49 = arith.constant 3125 : i32
    %add3A_50 = arith.addi %mul3A_2, %add3A_49 : i32
    %lt3A_51 = vector.broadcast %add3A_50 : i32 to vector<16xi32>
    %lt3A_52 = arith.cmpi slt, %get3A_46, %lt3A_51 : vector<16xi32>
    %and3A_53 = arith.andi %ge3A_48, %lt3A_52 : vector<16xi1>
    %sub3A_54 = vector.broadcast %mul3A_2 : i32 to vector<16xi32>
    %sub3A_55 = arith.subi %get3A_46, %sub3A_54 : vector<16xi32>
    %add3A_56 = arith.constant 32 : i32
    %add3A_57 = vector.broadcast %add3A_56 : i32 to vector<16xi32>
    %add3A_58 = arith.addi %add3A_57, %add3A_21 : vector<16xi32>
    %get3A_59 = arith.constant 48 : index
    %get3A_60 = tpu.vector_load %arg5[%get3A_59] {strides = array<i32>} : memref<50000xi32, #tpu.memory_space<vmem>>, vector<16xi32>,
    %ge3A_61 = vector.broadcast %mul3A_2 : i32 to vector<16xi32>
    %ge3A_62 = arith.cmpi sge, %get3A_60, %ge3A_61 : vector<16xi32>
    %add3A_63 = arith.constant 3125 : i32
    %add3A_64 = arith.addi %mul3A_2, %add3A_63 : i32
    %lt3A_65 = vector.broadcast %add3A_64 : i32 to vector<16xi32>
    %lt3A_66 = arith.cmpi slt, %get3A_60, %lt3A_65 : vector<16xi32>
    %and3A_67 = arith.andi %ge3A_62, %lt3A_66 : vector<16xi1>
    %sub3A_68 = vector.broadcast %mul3A_2 : i32 to vector<16xi32>
    %sub3A_69 = arith.subi %get3A_60, %sub3A_68 : vector<16xi32>
    %add3A_70 = arith.constant 48 : i32
    %add3A_71 = vector.broadcast %add3A_70 : i32 to vector<16xi32>
    %add3A_72 = arith.addi %add3A_71, %add3A_21 : vector<16xi32>
    %get3A_73 = arith.constant 64 : index
    %get3A_74 = tpu.vector_load %arg5[%get3A_73] {strides = array<i32>} : memref<50000xi32, #tpu.memory_space<vmem>>, vector<16xi32>,
    %ge3A_75 = vector.broadcast %mul3A_2 : i32 to vector<16xi32>
    %ge3A_76 = arith.cmpi sge, %get3A_74, %ge3A_75 : vector<16xi32>
    %add3A_77 = arith.constant 3125 : i32
    %add3A_78 = arith.addi %mul3A_2, %add3A_77 : i32
    %lt3A_79 = vector.broadcast %add3A_78 : i32 to vector<16xi32>
    %lt3A_80 = arith.cmpi slt, %get3A_74, %lt3A_79 : vector<16xi32>
    %and3A_81 = arith.andi %ge3A_76, %lt3A_80 : vector<16xi1>
    %sub3A_82 = vector.broadcast %mul3A_2 : i32 to vector<16xi32>
    %sub3A_83 = arith.subi %get3A_74, %sub3A_82 : vector<16xi32>
    %add3A_84 = arith.constant 64 : i32
    %add3A_85 = vector.broadcast %add3A_84 : i32 to vector<16xi32>
    %add3A_86 = arith.addi %add3A_85, %add3A_21 : vector<16xi32>
    %scan3A_87 = arith.constant 1 : i32
    %scan3A_88 = arith.constant 624 : i32
    %scan3A_89 = arith.addi %scan3A_87, %scan3A_88 : i32
    %scan3A_90 = arith.constant 1 : i32
    %scan3A_91:15 = scf.for %scan3A_249 = %scan3A_87 to %scan3A_89 step %scan3A_90 iter_args(%scan3A_250 = %sub3A_27, %scan3A_251 = %add3A_30, %scan3A_252 = %and3A, %scan3A_253 = %sub3A_41, %scan3A_254 = %add3A_44, %scan3A_255 = %and3A_39, %scan3A_256 = %sub3A_55, %scan3A_257 = %add3A_58, %scan3A_258 = %and3A_53, %scan3A_259 = %sub3A_69, %scan3A_260 = %add3A_72, %scan3A_261 = %and3A_67, %scan3A_262 = %sub3A_83, %scan3A_263 = %add3A_86, %scan3A_264 = %and3A_81) -> (vector<16xi32>, vector<16xi32>, vector<16xi1>, vector<16xi32>, vector<16xi32>, vector<16xi1>, vector<16xi32>, vector<16xi32>, vector<16xi1>, vector<16xi32>, vector<16xi32>, vector<16xi1>, vector<16xi32>, vector<16xi32>, vector<16xi1>)  : i32 {
      %mul3A_265 = arith.constant 5 : i32
      %mul3A_266 = arith.muli %mul3A_265, %scan3A_249 : i32
      %add3A_267 = arith.constant 0 : i32
      %add3A_268 = arith.addi %mul3A_266, %add3A_267 : i32
      %mul3A_269 = arith.constant 16 : i32
      %mul3A_270 = arith.muli %add3A_268, %mul3A_269 : i32
      %get3A_271 = arith.index_cast %mul3A_270 : i32 to index
      %get3A_272 = tpu.vector_load %arg5[%get3A_271] {strides = array<i32>} : memref<50000xi32, #tpu.memory_space<vmem>>, vector<16xi32>,
      %mul3A_273 = arith.constant 5 : i32
      %mul3A_274 = arith.muli %mul3A_273, %scan3A_249 : i32
      %add3A_275 = arith.constant 1 : i32
      %add3A_276 = arith.addi %mul3A_274, %add3A_275 : i32
      %mul3A_277 = arith.constant 16 : i32
      %mul3A_278 = arith.muli %add3A_276, %mul3A_277 : i32
      %get3A_279 = arith.index_cast %mul3A_278 : i32 to index
      %get3A_280 = tpu.vector_load %arg5[%get3A_279] {strides = array<i32>} : memref<50000xi32, #tpu.memory_space<vmem>>, vector<16xi32>,
      %mul3A_281 = arith.constant 5 : i32
      %mul3A_282 = arith.muli %mul3A_281, %scan3A_249 : i32
      %add3A_283 = arith.constant 2 : i32
      %add3A_284 = arith.addi %mul3A_282, %add3A_283 : i32
      %mul3A_285 = arith.constant 16 : i32
      %mul3A_286 = arith.muli %add3A_284, %mul3A_285 : i32
      %get3A_287 = arith.index_cast %mul3A_286 : i32 to index
      %get3A_288 = tpu.vector_load %arg5[%get3A_287] {strides = array<i32>} : memref<50000xi32, #tpu.memory_space<vmem>>, vector<16xi32>,
      %mul3A_289 = arith.constant 5 : i32
      %mul3A_290 = arith.muli %mul3A_289, %scan3A_249 : i32
      %add3A_291 = arith.constant 3 : i32
      %add3A_292 = arith.addi %mul3A_290, %add3A_291 : i32
      %mul3A_293 = arith.constant 16 : i32
      %mul3A_294 = arith.muli %add3A_292, %mul3A_293 : i32
      %get3A_295 = arith.index_cast %mul3A_294 : i32 to index
      %get3A_296 = tpu.vector_load %arg5[%get3A_295] {strides = array<i32>} : memref<50000xi32, #tpu.memory_space<vmem>>, vector<16xi32>,
      %mul3A_297 = arith.constant 5 : i32
      %mul3A_298 = arith.muli %mul3A_297, %scan3A_249 : i32
      %add3A_299 = arith.constant 4 : i32
      %add3A_300 = arith.addi %mul3A_298, %add3A_299 : i32
      %mul3A_301 = arith.constant 16 : i32
      %mul3A_302 = arith.muli %add3A_300, %mul3A_301 : i32
      %get3A_303 = arith.index_cast %mul3A_302 : i32 to index
      %get3A_304 = tpu.vector_load %arg5[%get3A_303] {strides = array<i32>} : memref<50000xi32, #tpu.memory_space<vmem>>, vector<16xi32>,
      tpu.vector_store_idx %arg6[%scan3A_250], %scan3A_251 masked %scan3A_252 : memref<3136xi32, #tpu.memory_space<vmem>>[vector<16xi32>], vector<16xi32>, vector<16xi1>
      tpu.vector_store_idx %arg6[%scan3A_253], %scan3A_254 masked %scan3A_255 : memref<3136xi32, #tpu.memory_space<vmem>>[vector<16xi32>], vector<16xi32>, vector<16xi1>
      tpu.vector_store_idx %arg6[%scan3A_256], %scan3A_257 masked %scan3A_258 : memref<3136xi32, #tpu.memory_space<vmem>>[vector<16xi32>], vector<16xi32>, vector<16xi1>
      tpu.vector_store_idx %arg6[%scan3A_259], %scan3A_260 masked %scan3A_261 : memref<3136xi32, #tpu.memory_space<vmem>>[vector<16xi32>], vector<16xi32>, vector<16xi1>
      tpu.vector_store_idx %arg6[%scan3A_262], %scan3A_263 masked %scan3A_264 : memref<3136xi32, #tpu.memory_space<vmem>>[vector<16xi32>], vector<16xi32>, vector<16xi1>
      %mul3A_305 = arith.constant 5 : i32
      %mul3A_306 = arith.muli %mul3A_305, %scan3A_249 : i32
      %add3A_307 = arith.constant 0 : i32
      %add3A_308 = arith.addi %mul3A_306, %add3A_307 : i32
      %ge3A_309 = vector.broadcast %mul3A_2 : i32 to vector<16xi32>
      %ge3A_310 = arith.cmpi sge, %get3A_272, %ge3A_309 : vector<16xi32>
      %add3A_311 = arith.constant 3125 : i32
      %add3A_312 = arith.addi %mul3A_2, %add3A_311 : i32
      %lt3A_313 = vector.broadcast %add3A_312 : i32 to vector<16xi32>
      %lt3A_314 = arith.cmpi slt, %get3A_272, %lt3A_313 : vector<16xi32>
      %and3A_315 = arith.andi %ge3A_310, %lt3A_314 : vector<16xi1>
      %sub3A_316 = vector.broadcast %mul3A_2 : i32 to vector<16xi32>
      %sub3A_317 = arith.subi %get3A_272, %sub3A_316 : vector<16xi32>
      %mul3A_318 = arith.constant 16 : i32
      %mul3A_319 = arith.muli %add3A_308, %mul3A_318 : i32
      %add3A_320 = vector.broadcast %mul3A_319 : i32 to vector<16xi32>
      %add3A_321 = arith.addi %add3A_320, %add3A_21 : vector<16xi32>
      %mul3A_322 = arith.constant 5 : i32
      %mul3A_323 = arith.muli %mul3A_322, %scan3A_249 : i32
      %add3A_324 = arith.constant 1 : i32
      %add3A_325 = arith.addi %mul3A_323, %add3A_324 : i32
      %ge3A_326 = vector.broadcast %mul3A_2 : i32 to vector<16xi32>
      %ge3A_327 = arith.cmpi sge, %get3A_280, %ge3A_326 : vector<16xi32>
      %add3A_328 = arith.constant 3125 : i32
      %add3A_329 = arith.addi %mul3A_2, %add3A_328 : i32
      %lt3A_330 = vector.broadcast %add3A_329 : i32 to vector<16xi32>
      %lt3A_331 = arith.cmpi slt, %get3A_280, %lt3A_330 : vector<16xi32>
      %and3A_332 = arith.andi %ge3A_327, %lt3A_331 : vector<16xi1>
      %sub3A_333 = vector.broadcast %mul3A_2 : i32 to vector<16xi32>
      %sub3A_334 = arith.subi %get3A_280, %sub3A_333 : vector<16xi32>
      %mul3A_335 = arith.constant 16 : i32
      %mul3A_336 = arith.muli %add3A_325, %mul3A_335 : i32
      %add3A_337 = vector.broadcast %mul3A_336 : i32 to vector<16xi32>
      %add3A_338 = arith.addi %add3A_337, %add3A_21 : vector<16xi32>
      %mul3A_339 = arith.constant 5 : i32
      %mul3A_340 = arith.muli %mul3A_339, %scan3A_249 : i32
      %add3A_341 = arith.constant 2 : i32
      %add3A_342 = arith.addi %mul3A_340, %add3A_341 : i32
      %ge3A_343 = vector.broadcast %mul3A_2 : i32 to vector<16xi32>
      %ge3A_344 = arith.cmpi sge, %get3A_288, %ge3A_343 : vector<16xi32>
      %add3A_345 = arith.constant 3125 : i32
      %add3A_346 = arith.addi %mul3A_2, %add3A_345 : i32
      %lt3A_347 = vector.broadcast %add3A_346 : i32 to vector<16xi32>
      %lt3A_348 = arith.cmpi slt, %get3A_288, %lt3A_347 : vector<16xi32>
      %and3A_349 = arith.andi %ge3A_344, %lt3A_348 : vector<16xi1>
      %sub3A_350 = vector.broadcast %mul3A_2 : i32 to vector<16xi32>
      %sub3A_351 = arith.subi %get3A_288, %sub3A_350 : vector<16xi32>
      %mul3A_352 = arith.constant 16 : i32
      %mul3A_353 = arith.muli %add3A_342, %mul3A_352 : i32
      %add3A_354 = vector.broadcast %mul3A_353 : i32 to vector<16xi32>
      %add3A_355 = arith.addi %add3A_354, %add3A_21 : vector<16xi32>
      %mul3A_356 = arith.constant 5 : i32
      %mul3A_357 = arith.muli %mul3A_356, %scan3A_249 : i32
      %add3A_358 = arith.constant 3 : i32
      %add3A_359 = arith.addi %mul3A_357, %add3A_358 : i32
      %ge3A_360 = vector.broadcast %mul3A_2 : i32 to vector<16xi32>
      %ge3A_361 = arith.cmpi sge, %get3A_296, %ge3A_360 : vector<16xi32>
      %add3A_362 = arith.constant 3125 : i32
      %add3A_363 = arith.addi %mul3A_2, %add3A_362 : i32
      %lt3A_364 = vector.broadcast %add3A_363 : i32 to vector<16xi32>
      %lt3A_365 = arith.cmpi slt, %get3A_296, %lt3A_364 : vector<16xi32>
      %and3A_366 = arith.andi %ge3A_361, %lt3A_365 : vector<16xi1>
      %sub3A_367 = vector.broadcast %mul3A_2 : i32 to vector<16xi32>
      %sub3A_368 = arith.subi %get3A_296, %sub3A_367 : vector<16xi32>
      %mul3A_369 = arith.constant 16 : i32
      %mul3A_370 = arith.muli %add3A_359, %mul3A_369 : i32
      %add3A_371 = vector.broadcast %mul3A_370 : i32 to vector<16xi32>
      %add3A_372 = arith.addi %add3A_371, %add3A_21 : vector<16xi32>
      %mul3A_373 = arith.constant 5 : i32
      %mul3A_374 = arith.muli %mul3A_373, %scan3A_249 : i32
      %add3A_375 = arith.constant 4 : i32
      %add3A_376 = arith.addi %mul3A_374, %add3A_375 : i32
      %ge3A_377 = vector.broadcast %mul3A_2 : i32 to vector<16xi32>
      %ge3A_378 = arith.cmpi sge, %get3A_304, %ge3A_377 : vector<16xi32>
      %add3A_379 = arith.constant 3125 : i32
      %add3A_380 = arith.addi %mul3A_2, %add3A_379 : i32
      %lt3A_381 = vector.broadcast %add3A_380 : i32 to vector<16xi32>
      %lt3A_382 = arith.cmpi slt, %get3A_304, %lt3A_381 : vector<16xi32>
      %and3A_383 = arith.andi %ge3A_378, %lt3A_382 : vector<16xi1>
      %sub3A_384 = vector.broadcast %mul3A_2 : i32 to vector<16xi32>
      %sub3A_385 = arith.subi %get3A_304, %sub3A_384 : vector<16xi32>
      %mul3A_386 = arith.constant 16 : i32
      %mul3A_387 = arith.muli %add3A_376, %mul3A_386 : i32
      %add3A_388 = vector.broadcast %mul3A_387 : i32 to vector<16xi32>
      %add3A_389 = arith.addi %add3A_388, %add3A_21 : vector<16xi32>
      scf.yield %sub3A_317, %add3A_321, %and3A_315, %sub3A_334, %add3A_338, %and3A_332, %sub3A_351, %add3A_355, %and3A_349, %sub3A_368, %add3A_372, %and3A_366, %sub3A_385, %add3A_389, %and3A_383 : vector<16xi32>, vector<16xi32>, vector<16xi1>, vector<16xi32>, vector<16xi32>, vector<16xi1>, vector<16xi32>, vector<16xi32>, vector<16xi1>, vector<16xi32>, vector<16xi32>, vector<16xi1>, vector<16xi32>, vector<16xi32>, vector<16xi1>
    }
    %scan3A_92 = arith.constant 624 : i32
    tpu.vector_store_idx %arg6[%scan3A_91#0], %scan3A_91#1 masked %scan3A_91#2 : memref<3136xi32, #tpu.memory_space<vmem>>[vector<16xi32>], vector<16xi32>, vector<16xi1>
    tpu.vector_store_idx %arg6[%scan3A_91#3], %scan3A_91#4 masked %scan3A_91#5 : memref<3136xi32, #tpu.memory_space<vmem>>[vector<16xi32>], vector<16xi32>, vector<16xi1>
    tpu.vector_store_idx %arg6[%scan3A_91#6], %scan3A_91#7 masked %scan3A_91#8 : memref<3136xi32, #tpu.memory_space<vmem>>[vector<16xi32>], vector<16xi32>, vector<16xi1>
    tpu.vector_store_idx %arg6[%scan3A_91#9], %scan3A_91#10 masked %scan3A_91#11 : memref<3136xi32, #tpu.memory_space<vmem>>[vector<16xi32>], vector<16xi32>, vector<16xi1>
    tpu.vector_store_idx %arg6[%scan3A_91#12], %scan3A_91#13 masked %scan3A_91#14 : memref<3136xi32, #tpu.memory_space<vmem>>[vector<16xi32>], vector<16xi32>, vector<16xi1>
    %add3A_93 = arith.constant 1 : i32
    %add3A_94 = vector.broadcast %add3A_93 : i32 to vector<16xi32>
    %add3A_95 = arith.addi %iota3A, %add3A_94 : vector<16xi32>
    %scan3A_96 = arith.constant 0 : i32
    %scan3A_97 = arith.constant 0 : i32
    %scan3A_98 = arith.constant 0 : i32
    %scan3A_99 = arith.constant 196 : i32
    %scan3A_100 = arith.addi %scan3A_98, %scan3A_99 : i32
    %scan3A_101 = arith.constant 1 : i32
    %scan3A_102:2 = scf.for %scan3A_249 = %scan3A_98 to %scan3A_100 step %scan3A_101 iter_args(%scan3A_250 = %scan3A_96, %scan3A_251 = %scan3A_97) -> (i32, i32)  : i32 {
      %mul3A_252 = arith.constant 16 : i32
      %mul3A_253 = arith.muli %scan3A_249, %mul3A_252 : i32
      %get3A_254 = arith.index_cast %mul3A_253 : i32 to index
      %get3A_255 = tpu.vector_load %arg6[%get3A_254] {strides = array<i32>} : memref<3136xi32, #tpu.memory_space<vmem>>, vector<16xi32>,
      %mul3A_256 = arith.constant 16 : i32
      %mul3A_257 = arith.muli %scan3A_249, %mul3A_256 : i32
      %add3A_258 = vector.broadcast %mul3A_257 : i32 to vector<16xi32>
      %add3A_259 = arith.addi %add3A_258, %iota3A : vector<16xi32>
      %mul3A_260 = arith.constant 16 : i32
      %mul3A_261 = arith.muli %scan3A_249, %mul3A_260 : i32
      %sub3A_262 = arith.constant 3125 : i32
      %sub3A_263 = arith.subi %sub3A_262, %mul3A_261 : i32
      %lt3A_264 = arith.constant 3125 : i32
      %lt3A_265 = vector.broadcast %lt3A_264 : i32 to vector<16xi32>
      %lt3A_266 = arith.cmpi slt, %add3A_259, %lt3A_265 : vector<16xi32>
      %add3A_267 = vector.broadcast %mul3A_2 : i32 to vector<16xi32>
      %add3A_268 = arith.addi %add3A_267, %add3A_259 : vector<16xi32>
      %gt3A_269 = arith.constant 0 : i32
      %gt3A_270 = vector.broadcast %gt3A_269 : i32 to vector<16xi32>
      %gt3A_271 = arith.cmpi sgt, %get3A_255, %gt3A_270 : vector<16xi32>
      %and3A_272 = arith.andi %gt3A_271, %lt3A_266 : vector<16xi1>
      %eq3A = arith.constant 0 : i32
      %eq3A_273 = vector.broadcast %eq3A : i32 to vector<16xi32>
      %eq3A_274 = arith.cmpi eq, %get3A_255, %eq3A_273 : vector<16xi32>
      %and3A_275 = arith.andi %eq3A_274, %lt3A_266 : vector<16xi1>
      %select_n3A_276 = arith.select %and3A_272, %broadcast_in_dim3A_5, %broadcast_in_dim3A_3 : vector<16xi1>, vector<16xi32>
      %broadcast_in_dim3A_277 = arith.constant true
      %broadcast_in_dim3A_278 = vector.broadcast %broadcast_in_dim3A_277 : i1 to vector<16xi1>
      %masked_cumsum3A = tpu.scan <sum>, %select_n3A_276 masked %broadcast_in_dim3A_278 : vector<16xi32>, vector<16xi1> -> vector<16xi32>
      %min3A = vector.broadcast %sub3A_263 : i32 to vector<16xi32>
      %min3A_279 = arith.minsi %add3A_95, %min3A : vector<16xi32>
      %sub3A_280 = arith.subi %min3A_279, %masked_cumsum3A : vector<16xi32>
      %add3A_281 = vector.broadcast %scan3A_250 : i32 to vector<16xi32>
      %add3A_282 = arith.addi %add3A_281, %masked_cumsum3A : vector<16xi32>
      %sub3A_283 = arith.constant 1 : i32
      %sub3A_284 = vector.broadcast %sub3A_283 : i32 to vector<16xi32>
      %sub3A_285 = arith.subi %add3A_282, %sub3A_284 : vector<16xi32>
      %add3A_286 = vector.broadcast %scan3A_251 : i32 to vector<16xi32>
      %add3A_287 = arith.addi %add3A_286, %sub3A_280 : vector<16xi32>
      %sub3A_288 = arith.constant 1 : i32
      %sub3A_289 = vector.broadcast %sub3A_288 : i32 to vector<16xi32>
      %sub3A_290 = arith.subi %add3A_287, %sub3A_289 : vector<16xi32>
      %shift_right_arithmetic3A_291 = arith.constant 7 : i32
      %shift_right_arithmetic3A_292 = vector.broadcast %shift_right_arithmetic3A_291 : i32 to vector<16xi32>
      %shift_right_arithmetic3A_293 = arith.shrsi %sub3A_285, %shift_right_arithmetic3A_292 : vector<16xi32>
      %and3A_294 = arith.constant 127 : i32
      %and3A_295 = vector.broadcast %and3A_294 : i32 to vector<16xi32>
      %and3A_296 = arith.andi %sub3A_285, %and3A_295 : vector<16xi32>
      tpu.vector_store_idx %arg7[%shift_right_arithmetic3A_293, %and3A_296], %add3A_268 masked %and3A_272 : memref<25x128xi32, #tpu.memory_space<vmem>>[vector<16xi32>, vector<16xi32>], vector<16xi32>, vector<16xi1>
      %shift_right_arithmetic3A_297 = arith.constant 7 : i32
      %shift_right_arithmetic3A_298 = vector.broadcast %shift_right_arithmetic3A_297 : i32 to vector<16xi32>
      %shift_right_arithmetic3A_299 = arith.shrsi %sub3A_285, %shift_right_arithmetic3A_298 : vector<16xi32>
      %and3A_300 = arith.constant 127 : i32
      %and3A_301 = vector.broadcast %and3A_300 : i32 to vector<16xi32>
      %and3A_302 = arith.andi %sub3A_285, %and3A_301 : vector<16xi32>
      %sub3A_303 = arith.constant 1 : i32
      %sub3A_304 = vector.broadcast %sub3A_303 : i32 to vector<16xi32>
      %sub3A_305 = arith.subi %get3A_255, %sub3A_304 : vector<16xi32>
      tpu.vector_store_idx %arg8[%shift_right_arithmetic3A_299, %and3A_302], %sub3A_305 masked %and3A_272 : memref<25x128xi32, #tpu.memory_space<vmem>>[vector<16xi32>, vector<16xi32>], vector<16xi32>, vector<16xi1>
      %shift_right_arithmetic3A_306 = arith.constant 7 : i32
      %shift_right_arithmetic3A_307 = vector.broadcast %shift_right_arithmetic3A_306 : i32 to vector<16xi32>
      %shift_right_arithmetic3A_308 = arith.shrsi %sub3A_290, %shift_right_arithmetic3A_307 : vector<16xi32>
      %and3A_309 = arith.constant 127 : i32
      %and3A_310 = vector.broadcast %and3A_309 : i32 to vector<16xi32>
      %and3A_311 = arith.andi %sub3A_290, %and3A_310 : vector<16xi32>
      tpu.vector_store_idx %arg9[%shift_right_arithmetic3A_308, %and3A_311], %add3A_268 masked %and3A_275 : memref<25x128xi32, #tpu.memory_space<vmem>>[vector<16xi32>, vector<16xi32>], vector<16xi32>, vector<16xi1>
      %slice3A = vector.extract_strided_slice %masked_cumsum3A {offsets = [15], sizes = [1], strides = [1]} : vector<16xi32> to vector<1xi32>
      %squeeze3A = vector.extract %slice3A[0] : i32 from vector<1xi32>
      %min3A_312 = arith.constant 16 : i32
      %min3A_313 = arith.minsi %min3A_312, %sub3A_263 : i32
      %add3A_314 = arith.addi %scan3A_250, %squeeze3A : i32
      %sub3A_315 = arith.subi %min3A_313, %squeeze3A : i32
      %add3A_316 = arith.addi %scan3A_251, %sub3A_315 : i32
      scf.yield %add3A_314, %add3A_316 : i32, i32
    }
    %scan3A_103 = arith.constant 196 : i32
    %get3A_104 = arith.constant 0 : i32
    %get3A_105 = arith.index_cast %get3A_104 : i32 to index
    %get3A_106 = arith.constant 0 : index
    %get3A_107 = tpu.vector_load %arg9[%get3A_105, %get3A_106] {strides = array<i32>} : memref<25x128xi32, #tpu.memory_space<vmem>>, vector<16xi32>,
    %lt3A_108 = arith.constant 0 : i32
    %lt3A_109 = vector.broadcast %lt3A_108 : i32 to vector<16xi32>
    %lt3A_110 = arith.cmpi slt, %broadcast_in_dim3A_3, %lt3A_109 : vector<16xi32>
    %add3A_111 = arith.constant 16 : i32
    %add3A_112 = vector.broadcast %add3A_111 : i32 to vector<16xi32>
    %add3A_113 = arith.addi %broadcast_in_dim3A_3, %add3A_112 : vector<16xi32>
    %select_n3A = arith.select %lt3A_110, %add3A_113, %broadcast_in_dim3A_3 : vector<16xi1>, vector<16xi32>
    %broadcast_in_dim3A_114 = vector.shape_cast %select_n3A : vector<16xi32> to vector<16x1xi32>
    %gather3A = vector.shape_cast %broadcast_in_dim3A_114 : vector<16x1xi32> to vector<16xi32>
    %gather3A_115 = tpu.dynamic_gather %get3A_107[%gather3A] in [0] : vector<16xi32>, vector<16xi32> -> vector<16xi32>
    %add3A_116 = arith.constant 128 : i32
    %add3A_117 = arith.addi %scan3A_102#1, %add3A_116 : i32
    %sub3A_118 = arith.constant 1 : i32
    %sub3A_119 = arith.subi %add3A_117, %sub3A_118 : i32
    %shift_right_arithmetic3A = arith.constant 7 : i32
    %shift_right_arithmetic3A_120 = arith.shrsi %sub3A_119, %shift_right_arithmetic3A : i32
    %sub3A_121 = arith.constant 1 : i32
    %sub3A_122 = arith.subi %shift_right_arithmetic3A_120, %sub3A_121 : i32
    %gt3A = arith.constant 0 : i32
    %gt3A_123 = arith.cmpi sgt, %scan3A_102#1, %gt3A : i32
    %and3A_124 = arith.constant 127 : i32
    %and3A_125 = arith.andi %scan3A_102#1, %and3A_124 : i32
    %ne3A = arith.constant 0 : i32
    %ne3A_126 = arith.cmpi ne, %and3A_125, %ne3A : i32
    %and3A_127 = arith.andi %gt3A_123, %ne3A_126 : i1
    %convert_element_type3A = arith.extui %and3A_127 : i1 to i32
    %cond3A = arith.constant 0 : i32
    %cond3A_128 = arith.cmpi ne, %convert_element_type3A, %cond3A : i32
    scf.if %cond3A_128 {
      %scan3A_249 = arith.constant 0 : i32
      %scan3A_250 = arith.constant 0 : i32
      %scan3A_251 = arith.constant 8 : i32
      %scan3A_252 = arith.addi %scan3A_250, %scan3A_251 : i32
      %scan3A_253 = arith.constant 1 : i32
      scf.for %scan3A_255 = %scan3A_250 to %scan3A_252 step %scan3A_253  : i32 {
        %mul3A_256 = arith.constant 128 : i32
        %mul3A_257 = arith.muli %sub3A_122, %mul3A_256 : i32
        %mul3A_258 = arith.constant 16 : i32
        %mul3A_259 = arith.muli %scan3A_255, %mul3A_258 : i32
        %add3A_260 = arith.addi %mul3A_257, %mul3A_259 : i32
        %mul3A_261 = arith.constant 16 : i32
        %mul3A_262 = arith.muli %scan3A_255, %mul3A_261 : i32
        %get3A_263 = arith.index_cast %sub3A_122 : i32 to index
        %get3A_264 = arith.index_cast %mul3A_262 : i32 to index
        %get3A_265 = tpu.vector_load %arg9[%get3A_263, %get3A_264] {strides = array<i32>} : memref<25x128xi32, #tpu.memory_space<vmem>>, vector<16xi32>,
        %add3A_266 = vector.broadcast %add3A_260 : i32 to vector<16xi32>
        %add3A_267 = arith.addi %add3A_266, %iota3A : vector<16xi32>
        %lt3A_268 = vector.broadcast %scan3A_102#1 : i32 to vector<16xi32>
        %lt3A_269 = arith.cmpi slt, %add3A_267, %lt3A_268 : vector<16xi32>
        %select_n3A_270 = arith.select %lt3A_269, %get3A_265, %gather3A_115 : vector<16xi1>, vector<16xi32>
        %mul3A_271 = arith.constant 16 : i32
        %mul3A_272 = arith.muli %scan3A_255, %mul3A_271 : i32
        %swap3A = arith.index_cast %sub3A_122 : i32 to index
        %swap3A_273 = arith.index_cast %mul3A_272 : i32 to index
        %swap3A_274 = tpu.vector_load %arg9[%swap3A, %swap3A_273] {strides = array<i32>} : memref<25x128xi32, #tpu.memory_space<vmem>>, vector<16xi32>,
        tpu.vector_store %arg9[%swap3A, %swap3A_273], %select_n3A_270 {strides = array<i32>} : memref<25x128xi32, #tpu.memory_space<vmem>>, vector<16xi32>,
      }
      %scan3A_254 = arith.constant 8 : i32
    } else {
    }
    %add3A_129 = arith.constant 128 : i32
    %add3A_130 = arith.addi %scan3A_102#1, %add3A_129 : i32
    %sub3A_131 = arith.constant 1 : i32
    %sub3A_132 = arith.subi %add3A_130, %sub3A_131 : i32
    %shift_right_arithmetic3A_133 = arith.constant 7 : i32
    %shift_right_arithmetic3A_134 = arith.shrsi %sub3A_132, %shift_right_arithmetic3A_133 : i32
    %while3A = arith.constant 0 : i32
    %while3A_135 = arith.constant 0 : i32
    %while3A_136 = arith.subi %shift_right_arithmetic3A_134, %while3A_135 : i32
    %while3A_137 = arith.addi %while3A_135, %while3A_136 : i32
    %while3A_138 = arith.constant 1 : i32
    %while3A_139 = arith.divsi %while3A_136, %while3A_138 : i32
    %while3A_140 = arith.muli %while3A_139, %while3A_138 : i32
    %while3A_141 = arith.addi %while3A_135, %while3A_140 : i32
    %while3A_142 = arith.constant 1 : i32
    scf.for %while3A_249 = %while3A_135 to %while3A_141 step %while3A_142  : i32 {
      %dma_start3A = arith.constant 0 : i32
      %dma_start3A_250 = tpu.memref_slice %arg9[%while3A_249, %dma_start3A] : memref<25x128xi32, #tpu.memory_space<vmem>> -> memref<1x128xi32, #tpu.memory_space<vmem>>
      %dma_start3A_251 = tpu.memref_squeeze %dma_start3A_250 : memref<1x128xi32, #tpu.memory_space<vmem>> -> memref<128xi32, #tpu.memory_space<vmem>>
      %dma_start3A_252 = arith.constant 0 : i32
      %dma_start3A_253 = arith.constant 0 : i32
      %dma_start3A_254 = tpu.memref_slice %arg4[%dma_start3A_252, %dma_start3A_253] : memref<100000x128xf32, #tpu.memory_space<hbm>> -> memref<100000x128xf32, #tpu.memory_space<hbm>>
      tpu.enqueue_indirect_dma source(%arg11 : memref<128x128xf32, #tpu.memory_space<vmem>>) target(%dma_start3A_254 : memref<100000x128xf32, #tpu.memory_space<hbm>>) offsets(%dma_start3A_251 : memref<128xi32, #tpu.memory_space<vmem>>) semaphore(%arg15 : memref<!tpu.dma_semaphore, #tpu.memory_space<semaphore_mem>>)
    }
    %while3A_143 = arith.constant 1 : i32
    scf.for %while3A_249 = %while3A_141 to %while3A_137 step %while3A_143  : i32 {
      %dma_start3A = arith.constant 0 : i32
      %dma_start3A_250 = tpu.memref_slice %arg9[%while3A_249, %dma_start3A] : memref<25x128xi32, #tpu.memory_space<vmem>> -> memref<1x128xi32, #tpu.memory_space<vmem>>
      %dma_start3A_251 = tpu.memref_squeeze %dma_start3A_250 : memref<1x128xi32, #tpu.memory_space<vmem>> -> memref<128xi32, #tpu.memory_space<vmem>>
      %dma_start3A_252 = arith.constant 0 : i32
      %dma_start3A_253 = arith.constant 0 : i32
      %dma_start3A_254 = tpu.memref_slice %arg4[%dma_start3A_252, %dma_start3A_253] : memref<100000x128xf32, #tpu.memory_space<hbm>> -> memref<100000x128xf32, #tpu.memory_space<hbm>>
      tpu.enqueue_indirect_dma source(%arg11 : memref<128x128xf32, #tpu.memory_space<vmem>>) target(%dma_start3A_254 : memref<100000x128xf32, #tpu.memory_space<hbm>>) offsets(%dma_start3A_251 : memref<128xi32, #tpu.memory_space<vmem>>) semaphore(%arg15 : memref<!tpu.dma_semaphore, #tpu.memory_space<semaphore_mem>>)
    }
    %get3A_144 = arith.constant 0 : i32
    %get3A_145 = arith.index_cast %get3A_144 : i32 to index
    %get3A_146 = arith.constant 0 : index
    %get3A_147 = tpu.vector_load %arg7[%get3A_145, %get3A_146] {strides = array<i32>} : memref<25x128xi32, #tpu.memory_space<vmem>>, vector<16xi32>,
    %lt3A_148 = arith.constant 0 : i32
    %lt3A_149 = vector.broadcast %lt3A_148 : i32 to vector<16xi32>
    %lt3A_150 = arith.cmpi slt, %broadcast_in_dim3A_3, %lt3A_149 : vector<16xi32>
    %add3A_151 = arith.constant 16 : i32
    %add3A_152 = vector.broadcast %add3A_151 : i32 to vector<16xi32>
    %add3A_153 = arith.addi %broadcast_in_dim3A_3, %add3A_152 : vector<16xi32>
    %select_n3A_154 = arith.select %lt3A_150, %add3A_153, %broadcast_in_dim3A_3 : vector<16xi1>, vector<16xi32>
    %broadcast_in_dim3A_155 = vector.shape_cast %select_n3A_154 : vector<16xi32> to vector<16x1xi32>
    %gather3A_156 = vector.shape_cast %broadcast_in_dim3A_155 : vector<16x1xi32> to vector<16xi32>
    %gather3A_157 = tpu.dynamic_gather %get3A_147[%gather3A_156] in [0] : vector<16xi32>, vector<16xi32> -> vector<16xi32>
    %add3A_158 = arith.constant 128 : i32
    %add3A_159 = arith.addi %scan3A_102#0, %add3A_158 : i32
    %sub3A_160 = arith.constant 1 : i32
    %sub3A_161 = arith.subi %add3A_159, %sub3A_160 : i32
    %shift_right_arithmetic3A_162 = arith.constant 7 : i32
    %shift_right_arithmetic3A_163 = arith.shrsi %sub3A_161, %shift_right_arithmetic3A_162 : i32
    %sub3A_164 = arith.constant 1 : i32
    %sub3A_165 = arith.subi %shift_right_arithmetic3A_163, %sub3A_164 : i32
    %gt3A_166 = arith.constant 0 : i32
    %gt3A_167 = arith.cmpi sgt, %scan3A_102#0, %gt3A_166 : i32
    %and3A_168 = arith.constant 127 : i32
    %and3A_169 = arith.andi %scan3A_102#0, %and3A_168 : i32
    %ne3A_170 = arith.constant 0 : i32
    %ne3A_171 = arith.cmpi ne, %and3A_169, %ne3A_170 : i32
    %and3A_172 = arith.andi %gt3A_167, %ne3A_171 : i1
    %convert_element_type3A_173 = arith.extui %and3A_172 : i1 to i32
    %cond3A_174 = arith.constant 0 : i32
    %cond3A_175 = arith.cmpi ne, %convert_element_type3A_173, %cond3A_174 : i32
    scf.if %cond3A_175 {
      %scan3A_249 = arith.constant 0 : i32
      %scan3A_250 = arith.constant 0 : i32
      %scan3A_251 = arith.constant 8 : i32
      %scan3A_252 = arith.addi %scan3A_250, %scan3A_251 : i32
      %scan3A_253 = arith.constant 1 : i32
      scf.for %scan3A_255 = %scan3A_250 to %scan3A_252 step %scan3A_253  : i32 {
        %mul3A_256 = arith.constant 128 : i32
        %mul3A_257 = arith.muli %sub3A_165, %mul3A_256 : i32
        %mul3A_258 = arith.constant 16 : i32
        %mul3A_259 = arith.muli %scan3A_255, %mul3A_258 : i32
        %add3A_260 = arith.addi %mul3A_257, %mul3A_259 : i32
        %mul3A_261 = arith.constant 16 : i32
        %mul3A_262 = arith.muli %scan3A_255, %mul3A_261 : i32
        %get3A_263 = arith.index_cast %sub3A_165 : i32 to index
        %get3A_264 = arith.index_cast %mul3A_262 : i32 to index
        %get3A_265 = tpu.vector_load %arg7[%get3A_263, %get3A_264] {strides = array<i32>} : memref<25x128xi32, #tpu.memory_space<vmem>>, vector<16xi32>,
        %add3A_266 = vector.broadcast %add3A_260 : i32 to vector<16xi32>
        %add3A_267 = arith.addi %add3A_266, %iota3A : vector<16xi32>
        %lt3A_268 = vector.broadcast %scan3A_102#0 : i32 to vector<16xi32>
        %lt3A_269 = arith.cmpi slt, %add3A_267, %lt3A_268 : vector<16xi32>
        %select_n3A_270 = arith.select %lt3A_269, %get3A_265, %gather3A_157 : vector<16xi1>, vector<16xi32>
        %mul3A_271 = arith.constant 16 : i32
        %mul3A_272 = arith.muli %scan3A_255, %mul3A_271 : i32
        %swap3A = arith.index_cast %sub3A_165 : i32 to index
        %swap3A_273 = arith.index_cast %mul3A_272 : i32 to index
        %swap3A_274 = tpu.vector_load %arg7[%swap3A, %swap3A_273] {strides = array<i32>} : memref<25x128xi32, #tpu.memory_space<vmem>>, vector<16xi32>,
        tpu.vector_store %arg7[%swap3A, %swap3A_273], %select_n3A_270 {strides = array<i32>} : memref<25x128xi32, #tpu.memory_space<vmem>>, vector<16xi32>,
      }
      %scan3A_254 = arith.constant 8 : i32
    } else {
    }
    %get3A_176 = arith.constant 0 : i32
    %get3A_177 = arith.index_cast %get3A_176 : i32 to index
    %get3A_178 = arith.constant 0 : index
    %get3A_179 = tpu.vector_load %arg8[%get3A_177, %get3A_178] {strides = array<i32>} : memref<25x128xi32, #tpu.memory_space<vmem>>, vector<16xi32>,
    %lt3A_180 = arith.constant 0 : i32
    %lt3A_181 = vector.broadcast %lt3A_180 : i32 to vector<16xi32>
    %lt3A_182 = arith.cmpi slt, %broadcast_in_dim3A_3, %lt3A_181 : vector<16xi32>
    %add3A_183 = arith.constant 16 : i32
    %add3A_184 = vector.broadcast %add3A_183 : i32 to vector<16xi32>
    %add3A_185 = arith.addi %broadcast_in_dim3A_3, %add3A_184 : vector<16xi32>
    %select_n3A_186 = arith.select %lt3A_182, %add3A_185, %broadcast_in_dim3A_3 : vector<16xi1>, vector<16xi32>
    %broadcast_in_dim3A_187 = vector.shape_cast %select_n3A_186 : vector<16xi32> to vector<16x1xi32>
    %gather3A_188 = vector.shape_cast %broadcast_in_dim3A_187 : vector<16x1xi32> to vector<16xi32>
    %gather3A_189 = tpu.dynamic_gather %get3A_179[%gather3A_188] in [0] : vector<16xi32>, vector<16xi32> -> vector<16xi32>
    %add3A_190 = arith.constant 128 : i32
    %add3A_191 = arith.addi %scan3A_102#0, %add3A_190 : i32
    %sub3A_192 = arith.constant 1 : i32
    %sub3A_193 = arith.subi %add3A_191, %sub3A_192 : i32
    %shift_right_arithmetic3A_194 = arith.constant 7 : i32
    %shift_right_arithmetic3A_195 = arith.shrsi %sub3A_193, %shift_right_arithmetic3A_194 : i32
    %sub3A_196 = arith.constant 1 : i32
    %sub3A_197 = arith.subi %shift_right_arithmetic3A_195, %sub3A_196 : i32
    %gt3A_198 = arith.constant 0 : i32
    %gt3A_199 = arith.cmpi sgt, %scan3A_102#0, %gt3A_198 : i32
    %and3A_200 = arith.constant 127 : i32
    %and3A_201 = arith.andi %scan3A_102#0, %and3A_200 : i32
    %ne3A_202 = arith.constant 0 : i32
    %ne3A_203 = arith.cmpi ne, %and3A_201, %ne3A_202 : i32
    %and3A_204 = arith.andi %gt3A_199, %ne3A_203 : i1
    %convert_element_type3A_205 = arith.extui %and3A_204 : i1 to i32
    %cond3A_206 = arith.constant 0 : i32
    %cond3A_207 = arith.cmpi ne, %convert_element_type3A_205, %cond3A_206 : i32
    scf.if %cond3A_207 {
      %scan3A_249 = arith.constant 0 : i32
      %scan3A_250 = arith.constant 0 : i32
      %scan3A_251 = arith.constant 8 : i32
      %scan3A_252 = arith.addi %scan3A_250, %scan3A_251 : i32
      %scan3A_253 = arith.constant 1 : i32
      scf.for %scan3A_255 = %scan3A_250 to %scan3A_252 step %scan3A_253  : i32 {
        %mul3A_256 = arith.constant 128 : i32
        %mul3A_257 = arith.muli %sub3A_197, %mul3A_256 : i32
        %mul3A_258 = arith.constant 16 : i32
        %mul3A_259 = arith.muli %scan3A_255, %mul3A_258 : i32
        %add3A_260 = arith.addi %mul3A_257, %mul3A_259 : i32
        %mul3A_261 = arith.constant 16 : i32
        %mul3A_262 = arith.muli %scan3A_255, %mul3A_261 : i32
        %get3A_263 = arith.index_cast %sub3A_197 : i32 to index
        %get3A_264 = arith.index_cast %mul3A_262 : i32 to index
        %get3A_265 = tpu.vector_load %arg8[%get3A_263, %get3A_264] {strides = array<i32>} : memref<25x128xi32, #tpu.memory_space<vmem>>, vector<16xi32>,
        %add3A_266 = vector.broadcast %add3A_260 : i32 to vector<16xi32>
        %add3A_267 = arith.addi %add3A_266, %iota3A : vector<16xi32>
        %lt3A_268 = vector.broadcast %scan3A_102#0 : i32 to vector<16xi32>
        %lt3A_269 = arith.cmpi slt, %add3A_267, %lt3A_268 : vector<16xi32>
        %select_n3A_270 = arith.select %lt3A_269, %get3A_265, %gather3A_189 : vector<16xi1>, vector<16xi32>
        %mul3A_271 = arith.constant 16 : i32
        %mul3A_272 = arith.muli %scan3A_255, %mul3A_271 : i32
        %swap3A = arith.index_cast %sub3A_197 : i32 to index
        %swap3A_273 = arith.index_cast %mul3A_272 : i32 to index
        %swap3A_274 = tpu.vector_load %arg8[%swap3A, %swap3A_273] {strides = array<i32>} : memref<25x128xi32, #tpu.memory_space<vmem>>, vector<16xi32>,
        tpu.vector_store %arg8[%swap3A, %swap3A_273], %select_n3A_270 {strides = array<i32>} : memref<25x128xi32, #tpu.memory_space<vmem>>, vector<16xi32>,
      }
      %scan3A_254 = arith.constant 8 : i32
    } else {
    }
    %add3A_208 = arith.constant 128 : i32
    %add3A_209 = arith.addi %scan3A_102#0, %add3A_208 : i32
    %sub3A_210 = arith.constant 1 : i32
    %sub3A_211 = arith.subi %add3A_209, %sub3A_210 : i32
    %shift_right_arithmetic3A_212 = arith.constant 7 : i32
    %shift_right_arithmetic3A_213 = arith.shrsi %sub3A_211, %shift_right_arithmetic3A_212 : i32
    %gt3A_214 = arith.constant 0 : i32
    %gt3A_215 = arith.cmpi sgt, %shift_right_arithmetic3A_213, %gt3A_214 : i32
    %convert_element_type3A_216 = arith.extui %gt3A_215 : i1 to i32
    %cond3A_217 = arith.constant 0 : i32
    %cond3A_218 = arith.cmpi ne, %convert_element_type3A_216, %cond3A_217 : i32
    scf.if %cond3A_218 {
      %dma_start3A = arith.constant 0 : i32
      %dma_start3A_249 = arith.constant 0 : i32
      %dma_start3A_250 = arith.constant 0 : i32
      %dma_start3A_251 = arith.constant 0 : i32
      %dma_start3A_252 = arith.constant 0 : i32
      %dma_start3A_253 = tpu.memref_slice %arg10[%dma_start3A_249, %dma_start3A_251, %dma_start3A_252] : memref<3x128x128xf32, #tpu.memory_space<vmem>> -> memref<1x128x128xf32, #tpu.memory_space<vmem>>
      %dma_start3A_254 = tpu.memref_squeeze %dma_start3A_253 : memref<1x128x128xf32, #tpu.memory_space<vmem>> -> memref<128x128xf32, #tpu.memory_space<vmem>>
      %dma_start3A_255 = arith.constant 0 : i32
      %dma_start3A_256 = tpu.memref_slice %arg8[%dma_start3A, %dma_start3A_255] : memref<25x128xi32, #tpu.memory_space<vmem>> -> memref<1x128xi32, #tpu.memory_space<vmem>>
      %dma_start3A_257 = tpu.memref_squeeze %dma_start3A_256 : memref<1x128xi32, #tpu.memory_space<vmem>> -> memref<128xi32, #tpu.memory_space<vmem>>
      %dma_start3A_258 = arith.constant 0 : i32
      %dma_start3A_259 = arith.constant 0 : i32
      %dma_start3A_260 = tpu.memref_slice %arg2[%dma_start3A_258, %dma_start3A_259] : memref<50000x128xf32, #tpu.memory_space<hbm>> -> memref<50000x128xf32, #tpu.memory_space<hbm>>
      %dma_start3A_261 = tpu.memref_slice %arg13[%dma_start3A_250] : memref<3x!tpu.dma_semaphore, #tpu.memory_space<semaphore_mem>> -> memref<1x!tpu.dma_semaphore, #tpu.memory_space<semaphore_mem>>
      %dma_start3A_262 = tpu.memref_squeeze %dma_start3A_261 : memref<1x!tpu.dma_semaphore, #tpu.memory_space<semaphore_mem>> -> memref<!tpu.dma_semaphore, #tpu.memory_space<semaphore_mem>>
      tpu.enqueue_indirect_dma source(%dma_start3A_260 : memref<50000x128xf32, #tpu.memory_space<hbm>>) target(%dma_start3A_254 : memref<128x128xf32, #tpu.memory_space<vmem>>) offsets(%dma_start3A_257 : memref<128xi32, #tpu.memory_space<vmem>>) semaphore(%dma_start3A_262 : memref<!tpu.dma_semaphore, #tpu.memory_space<semaphore_mem>>)
    } else {
    }
    %gt3A_219 = arith.constant 1 : i32
    %gt3A_220 = arith.cmpi sgt, %shift_right_arithmetic3A_213, %gt3A_219 : i32
    %convert_element_type3A_221 = arith.extui %gt3A_220 : i1 to i32
    %cond3A_222 = arith.constant 0 : i32
    %cond3A_223 = arith.cmpi ne, %convert_element_type3A_221, %cond3A_222 : i32
    scf.if %cond3A_223 {
      %dma_start3A = arith.constant 1 : i32
      %dma_start3A_249 = arith.constant 1 : i32
      %dma_start3A_250 = arith.constant 1 : i32
      %dma_start3A_251 = arith.constant 0 : i32
      %dma_start3A_252 = arith.constant 0 : i32
      %dma_start3A_253 = tpu.memref_slice %arg10[%dma_start3A_249, %dma_start3A_251, %dma_start3A_252] : memref<3x128x128xf32, #tpu.memory_space<vmem>> -> memref<1x128x128xf32, #tpu.memory_space<vmem>>
      %dma_start3A_254 = tpu.memref_squeeze %dma_start3A_253 : memref<1x128x128xf32, #tpu.memory_space<vmem>> -> memref<128x128xf32, #tpu.memory_space<vmem>>
      %dma_start3A_255 = arith.constant 0 : i32
      %dma_start3A_256 = tpu.memref_slice %arg8[%dma_start3A, %dma_start3A_255] : memref<25x128xi32, #tpu.memory_space<vmem>> -> memref<1x128xi32, #tpu.memory_space<vmem>>
      %dma_start3A_257 = tpu.memref_squeeze %dma_start3A_256 : memref<1x128xi32, #tpu.memory_space<vmem>> -> memref<128xi32, #tpu.memory_space<vmem>>
      %dma_start3A_258 = arith.constant 0 : i32
      %dma_start3A_259 = arith.constant 0 : i32
      %dma_start3A_260 = tpu.memref_slice %arg2[%dma_start3A_258, %dma_start3A_259] : memref<50000x128xf32, #tpu.memory_space<hbm>> -> memref<50000x128xf32, #tpu.memory_space<hbm>>
      %dma_start3A_261 = tpu.memref_slice %arg13[%dma_start3A_250] : memref<3x!tpu.dma_semaphore, #tpu.memory_space<semaphore_mem>> -> memref<1x!tpu.dma_semaphore, #tpu.memory_space<semaphore_mem>>
      %dma_start3A_262 = tpu.memref_squeeze %dma_start3A_261 : memref<1x!tpu.dma_semaphore, #tpu.memory_space<semaphore_mem>> -> memref<!tpu.dma_semaphore, #tpu.memory_space<semaphore_mem>>
      tpu.enqueue_indirect_dma source(%dma_start3A_260 : memref<50000x128xf32, #tpu.memory_space<hbm>>) target(%dma_start3A_254 : memref<128x128xf32, #tpu.memory_space<vmem>>) offsets(%dma_start3A_257 : memref<128xi32, #tpu.memory_space<vmem>>) semaphore(%dma_start3A_262 : memref<!tpu.dma_semaphore, #tpu.memory_space<semaphore_mem>>)
    } else {
    }
    %while3A_224 = arith.constant 0 : i32
    %while3A_225 = arith.constant 0 : i32
    %while3A_226 = arith.subi %shift_right_arithmetic3A_213, %while3A_225 : i32
    %while3A_227 = arith.addi %while3A_225, %while3A_226 : i32
    %while3A_228 = arith.constant 1 : i32
    %while3A_229 = arith.divsi %while3A_226, %while3A_228 : i32
    %while3A_230 = arith.muli %while3A_229, %while3A_228 : i32
    %while3A_231 = arith.addi %while3A_225, %while3A_230 : i32
    %while3A_232 = arith.constant 1 : i32
    scf.for %while3A_249 = %while3A_225 to %while3A_231 step %while3A_232  : i32 {
      %jit3A = arith.constant 3 : i32
      %eq3A = arith.constant 0 : i32
      %eq3A_250 = arith.cmpi eq, %jit3A, %eq3A : i32
      %jit3A_251 = arith.constant 1 : i32
      %select_n3A_252 = arith.select %eq3A_250, %jit3A_251, %jit3A : i32
      %rem3A = arith.remsi %while3A_249, %select_n3A_252 : i32
      %ne3A_253 = arith.constant 0 : i32
      %ne3A_254 = arith.cmpi ne, %rem3A, %ne3A_253 : i32
      %lt3A_255 = arith.constant 0 : i32
      %lt3A_256 = arith.cmpi slt, %rem3A, %lt3A_255 : i32
      %lt3A_257 = arith.constant 0 : i32
      %lt3A_258 = arith.cmpi slt, %select_n3A_252, %lt3A_257 : i32
      %ne3A_259 = arith.xori %lt3A_256, %lt3A_258 : i1
      %and3A_260 = arith.andi %ne3A_259, %ne3A_254 : i1
      %add3A_261 = arith.addi %rem3A, %select_n3A_252 : i32
      %select_n3A_262 = arith.select %and3A_260, %add3A_261, %rem3A : i32
      %add3A_263 = arith.constant 2 : i32
      %add3A_264 = arith.addi %while3A_249, %add3A_263 : i32
      %jit3A_265 = arith.constant 3 : i32
      %eq3A_266 = arith.constant 0 : i32
      %eq3A_267 = arith.cmpi eq, %jit3A_265, %eq3A_266 : i32
      %jit3A_268 = arith.constant 1 : i32
      %select_n3A_269 = arith.select %eq3A_267, %jit3A_268, %jit3A_265 : i32
      %rem3A_270 = arith.remsi %add3A_264, %select_n3A_269 : i32
      %ne3A_271 = arith.constant 0 : i32
      %ne3A_272 = arith.cmpi ne, %rem3A_270, %ne3A_271 : i32
      %lt3A_273 = arith.constant 0 : i32
      %lt3A_274 = arith.cmpi slt, %rem3A_270, %lt3A_273 : i32
      %lt3A_275 = arith.constant 0 : i32
      %lt3A_276 = arith.cmpi slt, %select_n3A_269, %lt3A_275 : i32
      %ne3A_277 = arith.xori %lt3A_274, %lt3A_276 : i1
      %and3A_278 = arith.andi %ne3A_277, %ne3A_272 : i1
      %add3A_279 = arith.addi %rem3A_270, %select_n3A_269 : i32
      %select_n3A_280 = arith.select %and3A_278, %add3A_279, %rem3A_270 : i32
      %dma_wait3A = arith.constant 0 : i32
      %dma_wait3A_281 = arith.constant 0 : i32
      %dma_wait3A_282 = tpu.memref_slice %arg10[%select_n3A_262, %dma_wait3A, %dma_wait3A_281] : memref<3x128x128xf32, #tpu.memory_space<vmem>> -> memref<1x128x128xf32, #tpu.memory_space<vmem>>
      %dma_wait3A_283 = tpu.memref_squeeze %dma_wait3A_282 : memref<1x128x128xf32, #tpu.memory_space<vmem>> -> memref<128x128xf32, #tpu.memory_space<vmem>>
      %dma_wait3A_284 = arith.constant 0 : i32
      %dma_wait3A_285 = tpu.memref_slice %arg8[%while3A_249, %dma_wait3A_284] : memref<25x128xi32, #tpu.memory_space<vmem>> -> memref<1x128xi32, #tpu.memory_space<vmem>>
      %dma_wait3A_286 = tpu.memref_squeeze %dma_wait3A_285 : memref<1x128xi32, #tpu.memory_space<vmem>> -> memref<128xi32, #tpu.memory_space<vmem>>
      %dma_wait3A_287 = arith.constant 0 : i32
      %dma_wait3A_288 = arith.constant 0 : i32
      %dma_wait3A_289 = tpu.memref_slice %arg2[%dma_wait3A_287, %dma_wait3A_288] : memref<50000x128xf32, #tpu.memory_space<hbm>> -> memref<50000x128xf32, #tpu.memory_space<hbm>>
      %dma_wait3A_290 = tpu.memref_slice %arg13[%select_n3A_262] : memref<3x!tpu.dma_semaphore, #tpu.memory_space<semaphore_mem>> -> memref<1x!tpu.dma_semaphore, #tpu.memory_space<semaphore_mem>>
      %dma_wait3A_291 = tpu.memref_squeeze %dma_wait3A_290 : memref<1x!tpu.dma_semaphore, #tpu.memory_space<semaphore_mem>> -> memref<!tpu.dma_semaphore, #tpu.memory_space<semaphore_mem>>
      tpu.wait_indirect_dma semaphore(%dma_wait3A_291 : memref<!tpu.dma_semaphore, #tpu.memory_space<semaphore_mem>>) src(%dma_wait3A_289 : memref<50000x128xf32, #tpu.memory_space<hbm>>) dst(%dma_wait3A_283 : memref<128x128xf32, #tpu.memory_space<vmem>>)
      %gt3A_292 = arith.constant 0 : i32
      %gt3A_293 = arith.cmpi sgt, %while3A_249, %gt3A_292 : i32
      %convert_element_type3A_294 = arith.extui %gt3A_293 : i1 to i32
      %cond3A_295 = arith.constant 0 : i32
      %cond3A_296 = arith.cmpi ne, %convert_element_type3A_294, %cond3A_295 : i32
      scf.if %cond3A_296 {
        %sub3A_312 = arith.constant 1 : i32
        %sub3A_313 = arith.subi %while3A_249, %sub3A_312 : i32
        %dma_wait3A_314 = arith.constant 0 : i32
        %dma_wait3A_315 = arith.constant 0 : i32
        %dma_wait3A_316 = tpu.memref_slice %arg10[%select_n3A_280, %dma_wait3A_314, %dma_wait3A_315] : memref<3x128x128xf32, #tpu.memory_space<vmem>> -> memref<1x128x128xf32, #tpu.memory_space<vmem>>
        %dma_wait3A_317 = tpu.memref_squeeze %dma_wait3A_316 : memref<1x128x128xf32, #tpu.memory_space<vmem>> -> memref<128x128xf32, #tpu.memory_space<vmem>>
        %dma_wait3A_318 = arith.constant 0 : i32
        %dma_wait3A_319 = tpu.memref_slice %arg7[%sub3A_313, %dma_wait3A_318] : memref<25x128xi32, #tpu.memory_space<vmem>> -> memref<1x128xi32, #tpu.memory_space<vmem>>
        %dma_wait3A_320 = tpu.memref_squeeze %dma_wait3A_319 : memref<1x128xi32, #tpu.memory_space<vmem>> -> memref<128xi32, #tpu.memory_space<vmem>>
        %dma_wait3A_321 = arith.constant 0 : i32
        %dma_wait3A_322 = arith.constant 0 : i32
        %dma_wait3A_323 = tpu.memref_slice %arg4[%dma_wait3A_321, %dma_wait3A_322] : memref<100000x128xf32, #tpu.memory_space<hbm>> -> memref<100000x128xf32, #tpu.memory_space<hbm>>
        tpu.wait_indirect_dma semaphore(%arg14 : memref<!tpu.dma_semaphore, #tpu.memory_space<semaphore_mem>>) src(%dma_wait3A_317 : memref<128x128xf32, #tpu.memory_space<vmem>>) dst(%dma_wait3A_323 : memref<100000x128xf32, #tpu.memory_space<hbm>>)
      } else {
      }
      %add3A_297 = arith.constant 2 : i32
      %add3A_298 = arith.addi %while3A_249, %add3A_297 : i32
      %lt3A_299 = arith.cmpi slt, %add3A_298, %shift_right_arithmetic3A_213 : i32
      %convert_element_type3A_300 = arith.extui %lt3A_299 : i1 to i32
      %cond3A_301 = arith.constant 0 : i32
      %cond3A_302 = arith.cmpi ne, %convert_element_type3A_300, %cond3A_301 : i32
      scf.if %cond3A_302 {
        %add3A_312 = arith.constant 2 : i32
        %add3A_313 = arith.addi %while3A_249, %add3A_312 : i32
        %dma_start3A_314 = arith.constant 0 : i32
        %dma_start3A_315 = arith.constant 0 : i32
        %dma_start3A_316 = tpu.memref_slice %arg10[%select_n3A_280, %dma_start3A_314, %dma_start3A_315] : memref<3x128x128xf32, #tpu.memory_space<vmem>> -> memref<1x128x128xf32, #tpu.memory_space<vmem>>
        %dma_start3A_317 = tpu.memref_squeeze %dma_start3A_316 : memref<1x128x128xf32, #tpu.memory_space<vmem>> -> memref<128x128xf32, #tpu.memory_space<vmem>>
        %dma_start3A_318 = arith.constant 0 : i32
        %dma_start3A_319 = tpu.memref_slice %arg8[%add3A_313, %dma_start3A_318] : memref<25x128xi32, #tpu.memory_space<vmem>> -> memref<1x128xi32, #tpu.memory_space<vmem>>
        %dma_start3A_320 = tpu.memref_squeeze %dma_start3A_319 : memref<1x128xi32, #tpu.memory_space<vmem>> -> memref<128xi32, #tpu.memory_space<vmem>>
        %dma_start3A_321 = arith.constant 0 : i32
        %dma_start3A_322 = arith.constant 0 : i32
        %dma_start3A_323 = tpu.memref_slice %arg2[%dma_start3A_321, %dma_start3A_322] : memref<50000x128xf32, #tpu.memory_space<hbm>> -> memref<50000x128xf32, #tpu.memory_space<hbm>>
        %dma_start3A_324 = tpu.memref_slice %arg13[%select_n3A_280] : memref<3x!tpu.dma_semaphore, #tpu.memory_space<semaphore_mem>> -> memref<1x!tpu.dma_semaphore, #tpu.memory_space<semaphore_mem>>
        %dma_start3A_325 = tpu.memref_squeeze %dma_start3A_324 : memref<1x!tpu.dma_semaphore, #tpu.memory_space<semaphore_mem>> -> memref<!tpu.dma_semaphore, #tpu.memory_space<semaphore_mem>>
        tpu.enqueue_indirect_dma source(%dma_start3A_323 : memref<50000x128xf32, #tpu.memory_space<hbm>>) target(%dma_start3A_317 : memref<128x128xf32, #tpu.memory_space<vmem>>) offsets(%dma_start3A_320 : memref<128xi32, #tpu.memory_space<vmem>>) semaphore(%dma_start3A_325 : memref<!tpu.dma_semaphore, #tpu.memory_space<semaphore_mem>>)
      } else {
      }
      %dma_start3A = arith.constant 0 : i32
      %dma_start3A_303 = arith.constant 0 : i32
      %dma_start3A_304 = tpu.memref_slice %arg10[%select_n3A_262, %dma_start3A, %dma_start3A_303] : memref<3x128x128xf32, #tpu.memory_space<vmem>> -> memref<1x128x128xf32, #tpu.memory_space<vmem>>
      %dma_start3A_305 = tpu.memref_squeeze %dma_start3A_304 : memref<1x128x128xf32, #tpu.memory_space<vmem>> -> memref<128x128xf32, #tpu.memory_space<vmem>>
      %dma_start3A_306 = arith.constant 0 : i32
      %dma_start3A_307 = tpu.memref_slice %arg7[%while3A_249, %dma_start3A_306] : memref<25x128xi32, #tpu.memory_space<vmem>> -> memref<1x128xi32, #tpu.memory_space<vmem>>
      %dma_start3A_308 = tpu.memref_squeeze %dma_start3A_307 : memref<1x128xi32, #tpu.memory_space<vmem>> -> memref<128xi32, #tpu.memory_space<vmem>>
      %dma_start3A_309 = arith.constant 0 : i32
      %dma_start3A_310 = arith.constant 0 : i32
      %dma_start3A_311 = tpu.memref_slice %arg4[%dma_start3A_309, %dma_start3A_310] : memref<100000x128xf32, #tpu.memory_space<hbm>> -> memref<100000x128xf32, #tpu.memory_space<hbm>>
      tpu.enqueue_indirect_dma source(%dma_start3A_305 : memref<128x128xf32, #tpu.memory_space<vmem>>) target(%dma_start3A_311 : memref<100000x128xf32, #tpu.memory_space<hbm>>) offsets(%dma_start3A_308 : memref<128xi32, #tpu.memory_space<vmem>>) semaphore(%arg14 : memref<!tpu.dma_semaphore, #tpu.memory_space<semaphore_mem>>)
    }
    %while3A_233 = arith.constant 1 : i32
    scf.for %while3A_249 = %while3A_231 to %while3A_227 step %while3A_233  : i32 {
      %jit3A = arith.constant 3 : i32
      %eq3A = arith.constant 0 : i32
      %eq3A_250 = arith.cmpi eq, %jit3A, %eq3A : i32
      %jit3A_251 = arith.constant 1 : i32
      %select_n3A_252 = arith.select %eq3A_250, %jit3A_251, %jit3A : i32
      %rem3A = arith.remsi %while3A_249, %select_n3A_252 : i32
      %ne3A_253 = arith.constant 0 : i32
      %ne3A_254 = arith.cmpi ne, %rem3A, %ne3A_253 : i32
      %lt3A_255 = arith.constant 0 : i32
      %lt3A_256 = arith.cmpi slt, %rem3A, %lt3A_255 : i32
      %lt3A_257 = arith.constant 0 : i32
      %lt3A_258 = arith.cmpi slt, %select_n3A_252, %lt3A_257 : i32
      %ne3A_259 = arith.xori %lt3A_256, %lt3A_258 : i1
      %and3A_260 = arith.andi %ne3A_259, %ne3A_254 : i1
      %add3A_261 = arith.addi %rem3A, %select_n3A_252 : i32
      %select_n3A_262 = arith.select %and3A_260, %add3A_261, %rem3A : i32
      %add3A_263 = arith.constant 2 : i32
      %add3A_264 = arith.addi %while3A_249, %add3A_263 : i32
      %jit3A_265 = arith.constant 3 : i32
      %eq3A_266 = arith.constant 0 : i32
      %eq3A_267 = arith.cmpi eq, %jit3A_265, %eq3A_266 : i32
      %jit3A_268 = arith.constant 1 : i32
      %select_n3A_269 = arith.select %eq3A_267, %jit3A_268, %jit3A_265 : i32
      %rem3A_270 = arith.remsi %add3A_264, %select_n3A_269 : i32
      %ne3A_271 = arith.constant 0 : i32
      %ne3A_272 = arith.cmpi ne, %rem3A_270, %ne3A_271 : i32
      %lt3A_273 = arith.constant 0 : i32
      %lt3A_274 = arith.cmpi slt, %rem3A_270, %lt3A_273 : i32
      %lt3A_275 = arith.constant 0 : i32
      %lt3A_276 = arith.cmpi slt, %select_n3A_269, %lt3A_275 : i32
      %ne3A_277 = arith.xori %lt3A_274, %lt3A_276 : i1
      %and3A_278 = arith.andi %ne3A_277, %ne3A_272 : i1
      %add3A_279 = arith.addi %rem3A_270, %select_n3A_269 : i32
      %select_n3A_280 = arith.select %and3A_278, %add3A_279, %rem3A_270 : i32
      %dma_wait3A = arith.constant 0 : i32
      %dma_wait3A_281 = arith.constant 0 : i32
      %dma_wait3A_282 = tpu.memref_slice %arg10[%select_n3A_262, %dma_wait3A, %dma_wait3A_281] : memref<3x128x128xf32, #tpu.memory_space<vmem>> -> memref<1x128x128xf32, #tpu.memory_space<vmem>>
      %dma_wait3A_283 = tpu.memref_squeeze %dma_wait3A_282 : memref<1x128x128xf32, #tpu.memory_space<vmem>> -> memref<128x128xf32, #tpu.memory_space<vmem>>
      %dma_wait3A_284 = arith.constant 0 : i32
      %dma_wait3A_285 = tpu.memref_slice %arg8[%while3A_249, %dma_wait3A_284] : memref<25x128xi32, #tpu.memory_space<vmem>> -> memref<1x128xi32, #tpu.memory_space<vmem>>
      %dma_wait3A_286 = tpu.memref_squeeze %dma_wait3A_285 : memref<1x128xi32, #tpu.memory_space<vmem>> -> memref<128xi32, #tpu.memory_space<vmem>>
      %dma_wait3A_287 = arith.constant 0 : i32
      %dma_wait3A_288 = arith.constant 0 : i32
      %dma_wait3A_289 = tpu.memref_slice %arg2[%dma_wait3A_287, %dma_wait3A_288] : memref<50000x128xf32, #tpu.memory_space<hbm>> -> memref<50000x128xf32, #tpu.memory_space<hbm>>
      %dma_wait3A_290 = tpu.memref_slice %arg13[%select_n3A_262] : memref<3x!tpu.dma_semaphore, #tpu.memory_space<semaphore_mem>> -> memref<1x!tpu.dma_semaphore, #tpu.memory_space<semaphore_mem>>
      %dma_wait3A_291 = tpu.memref_squeeze %dma_wait3A_290 : memref<1x!tpu.dma_semaphore, #tpu.memory_space<semaphore_mem>> -> memref<!tpu.dma_semaphore, #tpu.memory_space<semaphore_mem>>
      tpu.wait_indirect_dma semaphore(%dma_wait3A_291 : memref<!tpu.dma_semaphore, #tpu.memory_space<semaphore_mem>>) src(%dma_wait3A_289 : memref<50000x128xf32, #tpu.memory_space<hbm>>) dst(%dma_wait3A_283 : memref<128x128xf32, #tpu.memory_space<vmem>>)
      %gt3A_292 = arith.constant 0 : i32
      %gt3A_293 = arith.cmpi sgt, %while3A_249, %gt3A_292 : i32
      %convert_element_type3A_294 = arith.extui %gt3A_293 : i1 to i32
      %cond3A_295 = arith.constant 0 : i32
      %cond3A_296 = arith.cmpi ne, %convert_element_type3A_294, %cond3A_295 : i32
      scf.if %cond3A_296 {
        %sub3A_312 = arith.constant 1 : i32
        %sub3A_313 = arith.subi %while3A_249, %sub3A_312 : i32
        %dma_wait3A_314 = arith.constant 0 : i32
        %dma_wait3A_315 = arith.constant 0 : i32
        %dma_wait3A_316 = tpu.memref_slice %arg10[%select_n3A_280, %dma_wait3A_314, %dma_wait3A_315] : memref<3x128x128xf32, #tpu.memory_space<vmem>> -> memref<1x128x128xf32, #tpu.memory_space<vmem>>
        %dma_wait3A_317 = tpu.memref_squeeze %dma_wait3A_316 : memref<1x128x128xf32, #tpu.memory_space<vmem>> -> memref<128x128xf32, #tpu.memory_space<vmem>>
        %dma_wait3A_318 = arith.constant 0 : i32
        %dma_wait3A_319 = tpu.memref_slice %arg7[%sub3A_313, %dma_wait3A_318] : memref<25x128xi32, #tpu.memory_space<vmem>> -> memref<1x128xi32, #tpu.memory_space<vmem>>
        %dma_wait3A_320 = tpu.memref_squeeze %dma_wait3A_319 : memref<1x128xi32, #tpu.memory_space<vmem>> -> memref<128xi32, #tpu.memory_space<vmem>>
        %dma_wait3A_321 = arith.constant 0 : i32
        %dma_wait3A_322 = arith.constant 0 : i32
        %dma_wait3A_323 = tpu.memref_slice %arg4[%dma_wait3A_321, %dma_wait3A_322] : memref<100000x128xf32, #tpu.memory_space<hbm>> -> memref<100000x128xf32, #tpu.memory_space<hbm>>
        tpu.wait_indirect_dma semaphore(%arg14 : memref<!tpu.dma_semaphore, #tpu.memory_space<semaphore_mem>>) src(%dma_wait3A_317 : memref<128x128xf32, #tpu.memory_space<vmem>>) dst(%dma_wait3A_323 : memref<100000x128xf32, #tpu.memory_space<hbm>>)
      } else {
      }
      %add3A_297 = arith.constant 2 : i32
      %add3A_298 = arith.addi %while3A_249, %add3A_297 : i32
      %lt3A_299 = arith.cmpi slt, %add3A_298, %shift_right_arithmetic3A_213 : i32
      %convert_element_type3A_300 = arith.extui %lt3A_299 : i1 to i32
      %cond3A_301 = arith.constant 0 : i32
      %cond3A_302 = arith.cmpi ne, %convert_element_type3A_300, %cond3A_301 : i32
      scf.if %cond3A_302 {
        %add3A_312 = arith.constant 2 : i32
        %add3A_313 = arith.addi %while3A_249, %add3A_312 : i32
        %dma_start3A_314 = arith.constant 0 : i32
        %dma_start3A_315 = arith.constant 0 : i32
        %dma_start3A_316 = tpu.memref_slice %arg10[%select_n3A_280, %dma_start3A_314, %dma_start3A_315] : memref<3x128x128xf32, #tpu.memory_space<vmem>> -> memref<1x128x128xf32, #tpu.memory_space<vmem>>
        %dma_start3A_317 = tpu.memref_squeeze %dma_start3A_316 : memref<1x128x128xf32, #tpu.memory_space<vmem>> -> memref<128x128xf32, #tpu.memory_space<vmem>>
        %dma_start3A_318 = arith.constant 0 : i32
        %dma_start3A_319 = tpu.memref_slice %arg8[%add3A_313, %dma_start3A_318] : memref<25x128xi32, #tpu.memory_space<vmem>> -> memref<1x128xi32, #tpu.memory_space<vmem>>
        %dma_start3A_320 = tpu.memref_squeeze %dma_start3A_319 : memref<1x128xi32, #tpu.memory_space<vmem>> -> memref<128xi32, #tpu.memory_space<vmem>>
        %dma_start3A_321 = arith.constant 0 : i32
        %dma_start3A_322 = arith.constant 0 : i32
        %dma_start3A_323 = tpu.memref_slice %arg2[%dma_start3A_321, %dma_start3A_322] : memref<50000x128xf32, #tpu.memory_space<hbm>> -> memref<50000x128xf32, #tpu.memory_space<hbm>>
        %dma_start3A_324 = tpu.memref_slice %arg13[%select_n3A_280] : memref<3x!tpu.dma_semaphore, #tpu.memory_space<semaphore_mem>> -> memref<1x!tpu.dma_semaphore, #tpu.memory_space<semaphore_mem>>
        %dma_start3A_325 = tpu.memref_squeeze %dma_start3A_324 : memref<1x!tpu.dma_semaphore, #tpu.memory_space<semaphore_mem>> -> memref<!tpu.dma_semaphore, #tpu.memory_space<semaphore_mem>>
        tpu.enqueue_indirect_dma source(%dma_start3A_323 : memref<50000x128xf32, #tpu.memory_space<hbm>>) target(%dma_start3A_317 : memref<128x128xf32, #tpu.memory_space<vmem>>) offsets(%dma_start3A_320 : memref<128xi32, #tpu.memory_space<vmem>>) semaphore(%dma_start3A_325 : memref<!tpu.dma_semaphore, #tpu.memory_space<semaphore_mem>>)
      } else {
      }
      %dma_start3A = arith.constant 0 : i32
      %dma_start3A_303 = arith.constant 0 : i32
      %dma_start3A_304 = tpu.memref_slice %arg10[%select_n3A_262, %dma_start3A, %dma_start3A_303] : memref<3x128x128xf32, #tpu.memory_space<vmem>> -> memref<1x128x128xf32, #tpu.memory_space<vmem>>
      %dma_start3A_305 = tpu.memref_squeeze %dma_start3A_304 : memref<1x128x128xf32, #tpu.memory_space<vmem>> -> memref<128x128xf32, #tpu.memory_space<vmem>>
      %dma_start3A_306 = arith.constant 0 : i32
      %dma_start3A_307 = tpu.memref_slice %arg7[%while3A_249, %dma_start3A_306] : memref<25x128xi32, #tpu.memory_space<vmem>> -> memref<1x128xi32, #tpu.memory_space<vmem>>
      %dma_start3A_308 = tpu.memref_squeeze %dma_start3A_307 : memref<1x128xi32, #tpu.memory_space<vmem>> -> memref<128xi32, #tpu.memory_space<vmem>>
      %dma_start3A_309 = arith.constant 0 : i32
      %dma_start3A_310 = arith.constant 0 : i32
      %dma_start3A_311 = tpu.memref_slice %arg4[%dma_start3A_309, %dma_start3A_310] : memref<100000x128xf32, #tpu.memory_space<hbm>> -> memref<100000x128xf32, #tpu.memory_space<hbm>>
      tpu.enqueue_indirect_dma source(%dma_start3A_305 : memref<128x128xf32, #tpu.memory_space<vmem>>) target(%dma_start3A_311 : memref<100000x128xf32, #tpu.memory_space<hbm>>) offsets(%dma_start3A_308 : memref<128xi32, #tpu.memory_space<vmem>>) semaphore(%arg14 : memref<!tpu.dma_semaphore, #tpu.memory_space<semaphore_mem>>)
    }
    %gt3A_234 = arith.constant 0 : i32
    %gt3A_235 = arith.cmpi sgt, %shift_right_arithmetic3A_213, %gt3A_234 : i32
    %convert_element_type3A_236 = arith.extui %gt3A_235 : i1 to i32
    %cond3A_237 = arith.constant 0 : i32
    %cond3A_238 = arith.cmpi ne, %convert_element_type3A_236, %cond3A_237 : i32
    scf.if %cond3A_238 {
      %sub3A_249 = arith.constant 1 : i32
      %sub3A_250 = arith.subi %shift_right_arithmetic3A_213, %sub3A_249 : i32
      %jit3A = arith.constant 3 : i32
      %eq3A = arith.constant 0 : i32
      %eq3A_251 = arith.cmpi eq, %jit3A, %eq3A : i32
      %jit3A_252 = arith.constant 1 : i32
      %select_n3A_253 = arith.select %eq3A_251, %jit3A_252, %jit3A : i32
      %rem3A = arith.remsi %sub3A_250, %select_n3A_253 : i32
      %ne3A_254 = arith.constant 0 : i32
      %ne3A_255 = arith.cmpi ne, %rem3A, %ne3A_254 : i32
      %lt3A_256 = arith.constant 0 : i32
      %lt3A_257 = arith.cmpi slt, %rem3A, %lt3A_256 : i32
      %lt3A_258 = arith.constant 0 : i32
      %lt3A_259 = arith.cmpi slt, %select_n3A_253, %lt3A_258 : i32
      %ne3A_260 = arith.xori %lt3A_257, %lt3A_259 : i1
      %and3A_261 = arith.andi %ne3A_260, %ne3A_255 : i1
      %add3A_262 = arith.addi %rem3A, %select_n3A_253 : i32
      %select_n3A_263 = arith.select %and3A_261, %add3A_262, %rem3A : i32
      %sub3A_264 = arith.constant 1 : i32
      %sub3A_265 = arith.subi %shift_right_arithmetic3A_213, %sub3A_264 : i32
      %dma_wait3A = arith.constant 0 : i32
      %dma_wait3A_266 = arith.constant 0 : i32
      %dma_wait3A_267 = tpu.memref_slice %arg10[%select_n3A_263, %dma_wait3A, %dma_wait3A_266] : memref<3x128x128xf32, #tpu.memory_space<vmem>> -> memref<1x128x128xf32, #tpu.memory_space<vmem>>
      %dma_wait3A_268 = tpu.memref_squeeze %dma_wait3A_267 : memref<1x128x128xf32, #tpu.memory_space<vmem>> -> memref<128x128xf32, #tpu.memory_space<vmem>>
      %dma_wait3A_269 = arith.constant 0 : i32
      %dma_wait3A_270 = tpu.memref_slice %arg7[%sub3A_265, %dma_wait3A_269] : memref<25x128xi32, #tpu.memory_space<vmem>> -> memref<1x128xi32, #tpu.memory_space<vmem>>
      %dma_wait3A_271 = tpu.memref_squeeze %dma_wait3A_270 : memref<1x128xi32, #tpu.memory_space<vmem>> -> memref<128xi32, #tpu.memory_space<vmem>>
      %dma_wait3A_272 = arith.constant 0 : i32
      %dma_wait3A_273 = arith.constant 0 : i32
      %dma_wait3A_274 = tpu.memref_slice %arg4[%dma_wait3A_272, %dma_wait3A_273] : memref<100000x128xf32, #tpu.memory_space<hbm>> -> memref<100000x128xf32, #tpu.memory_space<hbm>>
      tpu.wait_indirect_dma semaphore(%arg14 : memref<!tpu.dma_semaphore, #tpu.memory_space<semaphore_mem>>) src(%dma_wait3A_268 : memref<128x128xf32, #tpu.memory_space<vmem>>) dst(%dma_wait3A_274 : memref<100000x128xf32, #tpu.memory_space<hbm>>)
    } else {
    }
    %while3A_239 = arith.constant 0 : i32
    %while3A_240 = arith.constant 0 : i32
    %while3A_241 = arith.subi %shift_right_arithmetic3A_134, %while3A_240 : i32
    %while3A_242 = arith.addi %while3A_240, %while3A_241 : i32
    %while3A_243 = arith.constant 1 : i32
    %while3A_244 = arith.divsi %while3A_241, %while3A_243 : i32
    %while3A_245 = arith.muli %while3A_244, %while3A_243 : i32
    %while3A_246 = arith.addi %while3A_240, %while3A_245 : i32
    %while3A_247 = arith.constant 1 : i32
    scf.for %while3A_249 = %while3A_240 to %while3A_246 step %while3A_247  : i32 {
      %dma_wait3A = arith.constant 0 : i32
      %dma_wait3A_250 = tpu.memref_slice %arg9[%while3A_249, %dma_wait3A] : memref<25x128xi32, #tpu.memory_space<vmem>> -> memref<1x128xi32, #tpu.memory_space<vmem>>
      %dma_wait3A_251 = tpu.memref_squeeze %dma_wait3A_250 : memref<1x128xi32, #tpu.memory_space<vmem>> -> memref<128xi32, #tpu.memory_space<vmem>>
      %dma_wait3A_252 = arith.constant 0 : i32
      %dma_wait3A_253 = arith.constant 0 : i32
      %dma_wait3A_254 = tpu.memref_slice %arg4[%dma_wait3A_252, %dma_wait3A_253] : memref<100000x128xf32, #tpu.memory_space<hbm>> -> memref<100000x128xf32, #tpu.memory_space<hbm>>
      tpu.wait_indirect_dma semaphore(%arg15 : memref<!tpu.dma_semaphore, #tpu.memory_space<semaphore_mem>>) src(%arg11 : memref<128x128xf32, #tpu.memory_space<vmem>>) dst(%dma_wait3A_254 : memref<100000x128xf32, #tpu.memory_space<hbm>>)
    }
    %while3A_248 = arith.constant 1 : i32
    scf.for %while3A_249 = %while3A_246 to %while3A_242 step %while3A_248  : i32 {
      %dma_wait3A = arith.constant 0 : i32
      %dma_wait3A_250 = tpu.memref_slice %arg9[%while3A_249, %dma_wait3A] : memref<25x128xi32, #tpu.memory_space<vmem>> -> memref<1x128xi32, #tpu.memory_space<vmem>>
      %dma_wait3A_251 = tpu.memref_squeeze %dma_wait3A_250 : memref<1x128xi32, #tpu.memory_space<vmem>> -> memref<128xi32, #tpu.memory_space<vmem>>
      %dma_wait3A_252 = arith.constant 0 : i32
      %dma_wait3A_253 = arith.constant 0 : i32
      %dma_wait3A_254 = tpu.memref_slice %arg4[%dma_wait3A_252, %dma_wait3A_253] : memref<100000x128xf32, #tpu.memory_space<hbm>> -> memref<100000x128xf32, #tpu.memory_space<hbm>>
      tpu.wait_indirect_dma semaphore(%arg15 : memref<!tpu.dma_semaphore, #tpu.memory_space<semaphore_mem>>) src(%arg11 : memref<128x128xf32, #tpu.memory_space<vmem>>) dst(%dma_wait3A_254 : memref<100000x128xf32, #tpu.memory_space<hbm>>)
    }
    return
  }
}

</mosaic_0001>

<sc_bundles>
// kernel: kernel.3.cloned.1.call-start
scs
__scs_entry_jumppad:
0x0: {  	(pc) =	sbr.rel $0x88, $3  }
0x1: {  	(tag) =	ssettag $0x0;
	lr =	simm.s32 $0x1  }
0x2: {  	[smem:$0x3F9F] =	sst lr;
	_ =	strace $0xD0000000  }
0x3: {  	_ = 	snop  }
0x4: {  	_ = 	snop  }
0x5: {  	_ = 	snop  }
0x6: {  	_ = 	snop  }
0x7: {  	_ = 	snop  }
__scs_overlays_trampoline_lowered:
0x8: {  	[smem:$0x3FAE] =	sst s0  }
0x9: {  	[smem:$0x3FAF] =	sst s1  }
0xa: {  	[smem:$0x3FB0] =	sst s2  }
0xb: {  	[smem:$0x3FB1] =	sst s3  }
0xc: {  	[smem:$0x3FB2] =	sst s4  }
0xd: {  	[smem:$0x3FB3] =	sst s5  }
0xe: {  	[smem:$0x3FB4] =	sst s6  }
0xf: {  	[smem:$0x3FB5] =	sst s7  }
0x10: {  	[smem:$0x3FB6] =	sst s8  }
0x11: {  	[smem:$0x3FB7] =	sst s9;
	s0 =	simm.s32 @!p0 $0x0  }
0x12: {  	s1 =	sld [smem:$0x3F9D];
	s0 =	simm.s32 @p0 $0x1  }
0x13: {  	[smem:$0x3FB8] =	sst s0;
	s0 =	simm.s32 @!p1 $0x0  }
0x14: {  	s2 =	sld [smem:$0x3F9C];
	s0 =	simm.s32 @p1 $0x1  }
0x15: {  	[smem:$0x3FB9] =	sst s0;
	s0 =	simm.s32 @!p2 $0x0  }
0x16: {  	s3 =	sld [smem:$0x3FDB];
	s0 =	simm.s32 @p2 $0x1  }
0x17: {  	s4 =	simm.s32 $0x1BF5;
	[smem:$0x3FBB] =	sst s0  }
0x18: {  	s0 =	sld [smem:$0x3F9E];
	_ =	swait.ge [sflag:s4], $0x0  }
0x19: {  	s7 =	sld [smem:$0x3F9F]  }
0x1a: {  	s8 =	sadd.s32 $0xFFFFE003, lr  }
0x1b: {  	s9 =	sadd.s32 $0xFFFFFEF7, lr;
	s5 =	simm.s32 $0xFFFFFFFF;
	p2 =	slt.u32 s8, $0xFFFFF086  }
0x1c: {  	p1 =	slt.u32 s9, $0xF7A;
	s5 =	simm.s32 @!p2 $0x0  }
0x1d: {  	s5 =	simm.s32 @p1 $0x1;
	p0 =	seq.s32 s7, s2  }
0x1e: {  	s7 =	smul.u32 @!p0 $0xF7A, s2;
	p2 =	seq.s32 @!p0 s5, $0x0  }
0x1f: {  	s9 =	smul.u32 $0xF7A, s1;
	s8 =	simm.s32 @!p0 $0x1BF5;
	p2 =	por !p2, p0  }
0x20: {  	[sflag:s8] =	ssyncset.s32 @!p0 $0xFFFFF086;
	s6 =	sadd.s32 @!p0 s3, s7;
	s7 =	simm.s32 @!p0 $0x108  }
0x21: {  	s3 =	sadd.s32 s3, s9;
	s6 =	sadd.s32 @!p0 $0x88, s6;
	s7 =	simm.s32 @p2 $0x1082  }
0x22: {  	[simem:s7], [sflag:s8] =	dma.local @!p0 [hbm:s6], $0xF7A  }
0x23: {  	s9 =	sor.u32 $0xD0000000, s2;
	s6 =	simm.s32 $0x108;
	_ =	swait.ge @!p0 [sflag:s8], $0x0  }
0x24: {  	s3 =	sadd.s32 $0x88, s3;
	s6 =	simm.s32 @!p1 $0x1082;
	[sflag:s4] =	ssyncset.s32 $0xFFFFF086  }
0x25: {  	[simem:s6], [sflag:s4] =	dma.local [hbm:s3], $0xF7A  }
0x26: {  	[smem:$0x3F9F] =	sst s1;
	(tag) =	ssettag s2;
	_ =	strace s9  }
0x27: {  	s1 =	sld [smem:$0x3FAF]  }
0x28: {  	s2 =	sld [smem:$0x3FB0]  }
0x29: {  	s4 =	sld [smem:$0x3FB2]  }
0x2a: {  	p0 =	seq.s32 s5, $0x0;
	s5 =	sld [smem:$0x3FB3]  }
0x2b: {  	s6 =	sld [smem:$0x3FB4]  }
0x2c: {  	s7 =	sld [smem:$0x3FB5]  }
0x2d: {  	s3 =	simm.s32 $0x108;
	s8 =	sld [smem:$0x3FB6]  }
0x2e: {  	s3 =	simm.s32 @!p0 $0x1082;
	s9 =	sld [smem:$0x3FB7]  }
0x2f: {  	lr =	sadd.s32 s0, s3;
	s0 =	sld [smem:$0x3FAE]  }
0x30: {  	s3 =	sld [smem:$0x3FB1]  }
0x31: {  	[smem:$0x3FBA] =	sst s10  }
0x32: {  	s10 =	sld [smem:$0x3FB8];
	_ =	sdelay $0x3  }
0x33: {  	p0 =	seq.s32 s10, $0x1;
	s10 =	sld [smem:$0x3FBA];
	_ =	sdelay $0x3  }
0x34: {  	[smem:$0x3FBA] =	sst s10  }
0x35: {  	s10 =	sld [smem:$0x3FB9];
	_ =	sdelay $0x3  }
0x36: {  	p1 =	seq.s32 s10, $0x1;
	s10 =	sld [smem:$0x3FBA];
	_ =	sdelay $0x3  }
0x37: {  	[smem:$0x3FBA] =	sst s10  }
0x38: {  	s10 =	sld [smem:$0x3FBB]  }
0x39: {  	_ = 	snop;
	(pc) =	sbr.ind lr, $3  }
0x3a: {  	_ = 	snop  }
0x3b: {  	_ = 	snop  }
0x3c: {  	p2 =	seq.s32 s10, $0x1;
	s10 =	sld [smem:$0x3FBA]  }
0x3d: {  	_ =	shalt  }
0x3e: {  	_ =	shalt  }
0x3f: {  	_ =	shalt  }
0x40: {  	_ =	shalt  }
0x41: {  	_ =	shalt  }
0x42: {  	_ =	shalt  }
0x43: {  	_ =	shalt  }
0x44: {  	_ =	shalt  }
0x45: {  	_ =	shalt  }
0x46: {  	_ =	shalt  }
0x47: {  	_ =	shalt  }
0x48: {  	_ =	shalt  }
0x49: {  	_ =	shalt  }
0x4a: {  	_ =	shalt  }
0x4b: {  	_ =	shalt  }
0x4c: {  	_ =	shalt  }
0x4d: {  	_ =	shalt  }
0x4e: {  	_ =	shalt  }
0x4f: {  	_ =	shalt  }
0x50: {  	_ =	shalt  }
0x51: {  	_ =	shalt  }
0x52: {  	_ =	shalt  }
0x53: {  	_ =	shalt  }
0x54: {  	_ =	shalt  }
0x55: {  	_ =	shalt  }
0x56: {  	_ =	shalt  }
0x57: {  	_ =	shalt  }
0x58: {  	_ =	shalt  }
0x59: {  	_ =	shalt  }
0x5a: {  	_ =	shalt  }
0x5b: {  	_ =	shalt  }
0x5c: {  	_ =	shalt  }
0x5d: {  	_ =	shalt  }
0x5e: {  	_ =	shalt  }
0x5f: {  	_ =	shalt  }
0x60: {  	_ =	shalt  }
0x61: {  	_ =	shalt  }
0x62: {  	_ =	shalt  }
0x63: {  	_ =	shalt  }
0x64: {  	_ =	shalt  }
0x65: {  	_ =	shalt  }
0x66: {  	_ =	shalt  }
0x67: {  	_ =	shalt  }
0x68: {  	_ =	shalt  }
0x69: {  	_ =	shalt  }
0x6a: {  	_ =	shalt  }
0x6b: {  	_ =	shalt  }
0x6c: {  	_ =	shalt  }
0x6d: {  	_ =	shalt  }
0x6e: {  	_ =	shalt  }
0x6f: {  	_ =	shalt  }
0x70: {  	_ =	shalt  }
0x71: {  	_ =	shalt  }
0x72: {  	_ =	shalt  }
0x73: {  	_ =	shalt  }
0x74: {  	_ =	shalt  }
0x75: {  	_ =	shalt  }
0x76: {  	_ =	shalt  }
0x77: {  	_ =	shalt  }
0x78: {  	_ =	shalt  }
0x79: {  	_ =	shalt  }
0x7a: {  	_ =	shalt  }
0x7b: {  	_ =	shalt  }
0x7c: {  	_ =	shalt  }
0x7d: {  	_ =	shalt  }
0x7e: {  	_ =	shalt  }
0x7f: {  	_ =	shalt  }
0x80: {  	_ =	shalt  }
0x81: {  	_ =	shalt  }
0x82: {  	_ =	shalt  }
0x83: {  	_ =	shalt  }
0x84: {  	_ =	shalt  }
0x85: {  	_ =	shalt  }
0x86: {  	_ =	shalt  }
0x87: {  	_ =	shalt  }
.Lfunc_end0:
.L_simem_size_0:
called_computation_lowered:
.L_overlay_start_0:
0x88: {  	s2 =	sld [smem:$0x3FD9]  }
0x89: {  	s3 =	sld [smem:$0x3FFE];
	_ =	sdelay $0x1  }
0x8a: {  	s1 =	srdreg.scid  }
0x8b: {  	s0 =	sand.u32 $0x1, s1  }
0x8c: {  	s18 =	sshll.u32 s0, $0xA;
	s2 =	sadd.s32 s3, s2  }
0x8d: {  	s2 =	sadd.s32 s2, s18  }
0x8e: {  	[smem:$0x3FC6] =	sst s2  }
0x8f: {  	_ = 	snop  }
0x90: {  	s2 =	sld [smem:$0x3FC9]  }
0x91: {  	s19 =	sld [smem:$0x3FC8]  }
0x92: {  	s4 =	sld [smem:$0x3FD0];
	(tm) =	ssettm $0x1  }
0x93: {  	s5 =	sld [smem:$0x3FFB];
	_ =	sdelay $0x3  }
0x94: {  	_ =	strace s5  }
0x95: {  	s5 =	sld [smem:$0x3FFC];
	_ =	sdelay $0x3  }
0x96: {  	_ =	strace s5  }
0x97: {  	s5 =	sld [smem:$0x3FFD];
	_ =	sdelay $0x3  }
0x98: {  	_ =	strace s5  }
0x99: {  	_ =	strace $0x8FFFFFFF  }
0x9a: {  	s20 =	sld [smem:$0x3FDB];
	_ =	sdelay $0x1  }
0x9b: {  	s6 =	simm.s32 $_scs_section_size  }
0x9c: {  	s7 =	simm.s32 $_size__tile_overlayer_lowered;
	s8 =	simm.s32 $_tile_overlayer_lowered  }
0x9d: {  	s23 =	simm.s32 $0x1BFF;
	s22 =	sshll.u32 s8, $0x1;
	s5 =	sadd.s32 s6, s20  }
0x9e: {  	s9 =	simm.s32 $0x0;
	s21 =	sshll.u32 s7, $0x1;
	s7 =	sadd.s32 s22, s5  }
0x9f: {  	[timem:s9], [sflag:s23] =	dma.local [hbm:s7], s21  }
0xa0: {  	_ =	swait.ge [sflag:s23], s21  }
0xa1: {  	s6 =	ssub.s32 $0x0, s21;
	[sflag:s23] =	ssyncset.done $0x0  }
0xa2: {  	[sflag:s23] =	ssyncadd.s32 s6;
	_ =	sdelay $0x1  }
0xa3: {  	s24 =	simm.s32 $0x1B8B  }
0xa4: {  	_ =	swait.ge [sflag:s24], $0x1  }
0xa5: {  	[sflag:s24] =	ssyncset.done $0x0  }
0xa6: {  	s25 =	simm.s32 $0x1B8E;
	[sflag:s24] =	ssyncadd.s32 $0xFFFFFFFF  }
0xa7: {  	s26 =	simm.s32 $execute0_lowered;
	[smem:$0x3FD2] =	sst s25  }
0xa8: {  	s6 =	sshll.u32 s26, $0x1;
	_ =	strace $0x80000046;
	[dreg:$0x1] =	wrdreg $0xFFFFFFFF  }
0xa9: {  	s28 =	simm.s32 $_size_execute0_lowered;
	s5 =	sadd.s32 s5, s6;
	[dreg:$0x0] =	wrdreg $0x0  }
0xaa: {  	s6 =	sshll.u32 s28, $0x1;
	[dreg:$0x2] =	wrdreg s5  }
0xab: {  	[dreg:$0x3] =	wrdreg s6  }
0xac: {  	[dreg:$0x4] =	wrdreg $0xC0  }
0xad: {  	_ =	task [dreg:s9], $0x5FFFF  }
0xae: {  	[dreg:$0x1] =	wrdreg $0xFFFFFFFF  }
0xaf: {  	[dreg:$0x0] =	wrdreg $0x60  }
0xb0: {  	[dreg:$0x2] =	wrdreg s2  }
0xb1: {  	[dreg:$0x3] =	wrdreg s19  }
0xb2: {  	[dreg:$0x4] =	wrdreg s4  }
0xb3: {  	[dreg:$0x5] =	wrdreg $0x9  }
0xb4: {  	_ =	task.clear_ibuf [dreg:s9], $0x6FFFF;
	_ =	strace $0x90000046  }
0xb5: {  	s29 =	simm.s32 $0x9;
	_ =	strace $0x80000048  }
0xb6: {  	_ =	swait.ge [sflag:s29], $0x1  }
0xb7: {  	[sflag:s29] =	ssyncadd.s32 $0xFFFFFFFF  }
0xb8: {  	_ =	strace $0x90000048  }
0xb9: {  	_ =	sfence  }
0xba: {  	s30 =	sld [smem:$0x0];
	_ =	sdelay $0x2  }
0xbb: {  	s31 =	sshll.u32 s1, $0xD;
	s1 =	sshrl.u32 s1, $0x2  }
0xbc: {  	s3 =	sand.u32 $0x4000, s31;
	s1 =	sadd.s32 s1, s30  }
0xbd: {  	s0 =	sor.u32 s3, s0;
	s1 =	sshll.u32 s1, $0x11  }
0xbe: {  	s0 =	sor.u32 s1, s0  }
0xbf: {  	s0 =	sadd.s32 $0x8F2B, s0  }
0xc0: {  	[sflag:s0] =	ssyncadd.remote.s32 $0x1  }
0xc1: {  	_ =	sfence.sel $0xFFFF  }
0xc2: {  	[dreg:$0x0] =	wrdreg $0xFFFFFFFF;
	(pc) =	sbr.abs _section_cstart, $3  }
0xc3: {  	[dreg:$0x1] =	wrdreg $0xFFFFFFFF  }
0xc4: {  	_ =	task.clear_ibuf [dreg:s9], $0x2FFFF;
	_ =	strace $0x9FFFFFFF  }
0xc5: {  	(tm) =	ssettm $0x7FFFFFFF  }
tec
execute0_lowered:
.L_overlay_start_1:
0x0: {  	(tag) =	ssettag $0x1  }
0x1: {  	s2 =	srdreg.scid  }
0x2: {  	s0 =	stileid.u32;
	s1 =	rddreg [dreg:$0x0]  }
0x3: {  	s8 =	simm.s32 $0xC380;
	s10 =	simm.s32 $0xE000;
	s11 =	simm.s32 $0xF000  }
0x4: {  	s12 =	simm.s32 $0x80;
	s2 =	sand.u32 $0x1, s2;
	s4 =	sshll.u32 s0, $0x1  }
.Ltmp0:
0x5: {  	s5 =	ssub.s32 $0x2, s2;
	s2 =	sor.u32 s2, s4;
	(pc) =	sbr.rel .LBB2_1-.Ltmp0, $4  }
0x6: {  	v3 =	vlaneseq.u32;
	s13 =	simm.s32 $0x1C000;
	s6 =	sshrl.u32 s5, $0x1;
	s7 =	smul.u32 $0xC35, s2  }
0x7: {  	v2 =	vimm.s32 $0x0;
	v4 =	vimm.f32 $0.0e+00;
	s16 =	simm.s32 $0x6;
	s17 =	simm.s32 $0x0;
	v5 =	vadd.s32 $0x1, v3;
	s5 =	ssub.s32 s5, s6  }
0x8: {  	v6 =	vadd.s32 $0x11, v3;
	v7 =	vadd.s32 $0x21, v3;
	v8 =	vadd.s32 $0x31, v3;
	s4 =	rddreg [dreg:$0x2];
	s9 =	sadd.s32 $0xC35, s7;
	s31 =	smax.u32 s5, $0x1  }
0x9: {  	v9 =	vadd.s32 $0x41, v3;
	_ =	strace $0x80000047;
	v0 =	vmov s7;
	[dreg:$0x4] =	wrdreg s31;
	v1 =	vmov s9;
	s9 =	simm.s32 $0xD000  }
.LBB2_29:
0xa: {  	[sflag:s16] =	ssyncadd.s32 $0xFFFFC000  }
.LBB2_30:
0xb: {  	s17 =	sadd.s32 $0x1, s17;
	s0 =	rddreg [dreg:$0x4]  }
0xc: {  	p0 =	sne.s32 s17, s0  }
.Ltmp1:
0xd: {  	_ = 	snop;
	(pc) =	sbr.rel @!p0 .LBB2_31-.Ltmp1, $1  }
0xe: {  	_ =	sdelay $0x3  }
.LBB2_1:
0xf: {  	s0 =	rddreg [dreg:$0x1];
	s2 =	simm.s32 $0x0;
	s18 =	simm.s32 $0x0  }
0x10: {  	[tilespmem:s2], [sflag:$0x1] =	stream.linear.gather [hbm4b:s0+s2], $0xC380, $0x38;
	v63 =	vld [tilespmem:$0x0]  }
.LBB2_2:
0x11: {  	p0 =	sne.s32 s18, $0x30C0  }
.Ltmp2:
0x12: {  	_ = 	snop;
	(pc) =	sbr.rel @p0 .LBB2_2-.Ltmp2, $3  }
0x13: {  	_ =	sdelay $0x1  }
0x14: {  	s19 =	sshra.s32 s18, $0x2  }
0x15: {  	s18 =	sadd.s32 $0x40, s18;
	[tilespmem:s19+$0xC380] =	vst v2  }
0x16: {  	s19 =	simm.s32 $0x0  }
0x17: {  	s18 =	simm.s32 $0x10;
	s19 =	sand.u32 $0x3FF0, s19  }
.LBB2_4:
0x18: {  	p0 =	sne.s32 s18, $0x3FF0;
	[tilespmem:s19+$0x1C000] =	vst v4;
	s19 =	smov.u32 s18;
	s18 =	sadd.s32 $0x10, s18  }
.Ltmp3:
0x19: {  	(pc) =	sbr.rel @p0 .LBB2_4-.Ltmp3, $2  }
0x1a: {  	_ =	sdelay $0x2  }
0x1b: {  	s19 =	sand.u32 $0x3FF0, s19  }
0x1c: {  	[tilespmem:s19+$0x1C000] =	vst v4;
	s0 =	simm.s32 $0x1  }
0x1d: {  	_ =	swait.ge [sflag:s0], $0xC380  }
0x1e: {  	[sflag:s0] =	ssyncset.done $0x0  }
0x1f: {  	[sflag:s0] =	ssyncadd.s32 $0xFFFF3C80  }
0x20: {  	v10 =	vld [tilespmem:$0x0]  }
0x21: {  	v11 =	vld [tilespmem:$0x10]  }
0x22: {  	v12 =	vld [tilespmem:$0x20]  }
0x23: {  	v13 =	vld [tilespmem:$0x30];
	_ =	sdelay $0x3  }
0x24: {  	v14 =	vld [tilespmem:$0x40];
	vm0 =	vge.s32 v10, v0;
	vm1 =	vlt.s32 v10, v1  }
0x25: {  	vm2 =	vlt.s32 v11, v1;
	vm3 =	vlt.s32 v12, v1;
	vm4 =	vge.s32 v13, v0  }
0x26: {  	s18 =	simm.s32 $0x90;
	vm5 =	vlt.s32 v13, v1;
	vm0 =	vmand vm0, vm1;
	vm1 =	vge.s32 v11, v0  }
0x27: {  	v16 =	vld [tilespmem:s18+$0xFFFFFFC0];
	v10 =	vsub.s32 v10, v0;
	vm1 =	vmand vm1, vm2;
	vm2 =	vge.s32 v12, v0  }
0x28: {  	v20 =	vld [tilespmem:s18+$0x0];
	v11 =	vsub.s32 v11, v0;
	v12 =	vsub.s32 v12, v0;
	vm2 =	vmand vm2, vm3  }
0x29: {  	vm3 =	vmand vm4, vm5;
	vm4 =	vge.s32 v14, v0;
	vm5 =	vlt.s32 v14, v1  }
0x2a: {  	v18 =	vld [tilespmem:s18+$0xFFFFFFE0];
	v13 =	vsub.s32 v13, v0;
	vm4 =	vmand vm4, vm5  }
0x2b: {  	v15 =	vld [tilespmem:s18+$0xFFFFFFD0];
	v14 =	vsub.s32 v14, v0  }
0x2c: {  	v19 =	vld [tilespmem:s18+$0xFFFFFFF0];
	[tilespmem:v10+s8+$0x0] =	vst.idx.msk vm0, v5  }
0x2d: {  	v21 =	vsub.s32 v16, v0;
	vm6 =	vlt.s32 v20, v1;
	[tilespmem:v11+s8+$0x0] =	vst.idx.msk vm1, v6  }
0x2e: {  	vm5 =	vge.s32 v20, v0;
	vm0 =	vge.s32 v16, v0;
	[tilespmem:v12+s8+$0x0] =	vst.idx.msk vm2, v7  }
0x2f: {  	vm1 =	vlt.s32 v16, v1;
	vm2 =	vge.s32 v18, v0;
	[tilespmem:v13+s8+$0x0] =	vst.idx.msk vm3, v8  }
0x30: {  	s19 =	simm.s32 $0xE0;
	vm3 =	vlt.s32 v15, v1;
	[tilespmem:v14+s8+$0x0] =	vst.idx.msk vm4, v9;
	vm4 =	vmand vm0, vm1;
	vm1 =	vge.s32 v15, v0  }
0x31: {  	vm0 =	vlt.s32 v18, v1;
	v14 =	vsub.s32 v15, v0;
	v12 =	vld [tilespmem:s19+$0xFFFFFFD0];
	vm3 =	vmand vm1, vm3  }
0x32: {  	vm0 =	vmand vm2, vm0;
	vm1 =	vge.s32 v19, v0;
	v17 =	vld [tilespmem:s19+$0xFFFFFFC0];
	vm2 =	vlt.s32 v19, v1  }
0x33: {  	v15 =	vsub.s32 v19, v0;
	v11 =	vld [tilespmem:s19+$0xFFFFFFE0];
	v19 =	vsub.s32 v18, v0;
	vm2 =	vmand vm1, vm2  }
0x34: {  	s20 =	simm.s32 $0x50;
	vm1 =	vmand vm5, vm6  }
0x35: {  	s21 =	simm.s32 $0x60;
	v16 =	vsub.s32 v20, v0;
	v10 =	vld [tilespmem:s19+$0x0];
	v18 =	vadd.s32 s20, v5  }
0x36: {  	s22 =	simm.s32 $0x70;
	v20 =	vadd.s32 s21, v5;
	s21 =	simm.s32 $0xE0;
	v13 =	vld [tilespmem:s19+$0xFFFFFFF0];
	s20 =	simm.s32 $0x130;
	[tilespmem:v21+s8+$0x0] =	vst.idx.msk vm4, v18;
	v18 =	vsub.s32 v12, v0  }
.LBB2_6:
0x37: {  	p0 =	sne.s32 s20, $0xC340;
	[tilespmem:v14+s8+$0x0] =	vst.idx.msk vm3, v20;
	v20 =	vsub.s32 v17, v0;
	s23 =	sadd.s32 $0xFFFFFFF0, s18;
	v21 =	vadd.s32 s22, v5;
	v22 =	vadd.s32 s18, v5;
	v14 =	vmovc v18;
	s18 =	smov.u32 s19  }
0x38: {  	s19 =	smov.u32 s20;
	[tilespmem:v19+s8+$0x0] =	vst.idx.msk vm0, v21;
	vm0 =	vge.s32 v11, v0;
	vm3 =	vlt.s32 v11, v1;
	v18 =	vadd.s32 s23, v5  }
0x39: {  	vm4 =	vlt.s32 v17, v1;
	[tilespmem:v15+s8+$0x0] =	vst.idx.msk vm2, v18;
	vm2 =	vge.s32 v17, v0;
	vm0 =	vmand vm0, vm3  }
0x3a: {  	s21 =	sadd.s32 $0x50, s21;
	[tilespmem:v16+s8+$0x0] =	vst.idx.msk vm1, v22;
	vm4 =	vmand vm2, vm4;
	vm1 =	vge.s32 v12, v0;
	vm2 =	vlt.s32 v12, v1  }
0x3b: {  	v12 =	vld [tilespmem:s21+$0xFFFFFFD0];
	vm3 =	vmand vm1, vm2;
	vm1 =	vge.s32 v13, v0;
	vm2 =	vlt.s32 v13, v1  }
.Ltmp4:
0x3c: {  	vm5 =	vlt.s32 v10, v1;
	v17 =	vld [tilespmem:s21+$0xFFFFFFC0];
	vm2 =	vmand vm1, vm2;
	vm1 =	vge.s32 v10, v0;
	(pc) =	sbr.rel @p0 .LBB2_6-.Ltmp4, $4  }
0x3d: {  	v19 =	vsub.s32 v11, v0;
	v15 =	vsub.s32 v13, v0;
	vm1 =	vmand vm1, vm5;
	v11 =	vld [tilespmem:s21+$0xFFFFFFE0]  }
0x3e: {  	s22 =	sadd.s32 $0xFFFFFFC0, s18;
	v16 =	vsub.s32 v10, v0;
	v10 =	vld [tilespmem:s21+$0x0]  }
0x3f: {  	s23 =	sadd.s32 $0xFFFFFFD0, s18;
	v18 =	vadd.s32 s22, v5  }
0x40: {  	s20 =	sadd.s32 $0x50, s20;
	s22 =	sadd.s32 $0xFFFFFFE0, s18;
	v13 =	vld [tilespmem:s21+$0xFFFFFFF0];
	[tilespmem:v20+s8+$0x0] =	vst.idx.msk vm4, v18;
	v18 =	vsub.s32 v12, v0;
	v20 =	vadd.s32 s23, v5  }
0x41: {  	_ = 	snop  }
0x42: {  	v21 =	vsub.s32 v17, v0;
	vm4 =	vge.s32 v17, v0;
	vm5 =	vlt.s32 v17, v1  }
0x43: {  	v49 =	vadd.s32 s22, v5;
	vm15 =	vge.s32 v12, v0;
	vm8 =	vlt.s32 v12, v1  }
0x44: {  	s20 =	sadd.s32 $0xFFFFFFF0, s18;
	vm6 =	vge.s32 v11, v0;
	vm7 =	vlt.s32 v11, v1;
	vm4 =	vmand vm4, vm5  }
0x45: {  	vm12 =	vmand vm15, vm8;
	v50 =	vadd.s32 s20, v5;
	v11 =	vsub.s32 v11, v0  }
0x46: {  	[tilespmem:v14+s8+$0x0] =	vst.idx.msk vm3, v20;
	vm15 =	vmand vm6, vm7;
	vm13 =	vge.s32 v13, v0;
	vm14 =	vlt.s32 v13, v1  }
0x47: {  	[tilespmem:v19+s8+$0x0] =	vst.idx.msk vm0, v49;
	vm9 =	vge.s32 v10, v0;
	vm10 =	vlt.s32 v10, v1;
	vm5 =	vmand vm13, vm14  }
0x48: {  	v51 =	vadd.s32 s18, v5;
	s28 =	sadd.s32 $0xFFFFFFC0, s19;
	[tilespmem:v15+s8+$0x0] =	vst.idx.msk vm2, v50;
	vm11 =	vmand vm9, vm10;
	v52 =	vsub.s32 v13, v0  }
0x49: {  	s29 =	sadd.s32 $0xFFFFFFD0, s19;
	s30 =	simm.s32 $0xC380;
	v53 =	vadd.s32 s28, v5;
	v10 =	vsub.s32 v10, v0;
	[tilespmem:v16+s8+$0x0] =	vst.idx.msk vm1, v51  }
0x4a: {  	s21 =	sadd.s32 $0xFFFFFFE0, s19;
	v54 =	vadd.s32 s29, v5;
	[tilespmem:v21+s30+$0x0] =	vst.idx.msk vm4, v53  }
0x4b: {  	s31 =	sadd.s32 $0xFFFFFFF0, s19;
	v55 =	vadd.s32 s21, v5;
	[tilespmem:v18+s30+$0x0] =	vst.idx.msk vm12, v54  }
0x4c: {  	v56 =	vadd.s32 s31, v5;
	[tilespmem:v11+s30+$0x0] =	vst.idx.msk vm15, v55  }
0x4d: {  	v11 =	vadd.s32 s19, v5;
	[tilespmem:v52+s30+$0x0] =	vst.idx.msk vm5, v56  }
0x4e: {  	[tilespmem:v10+s30+$0x0] =	vst.idx.msk vm11, v11  }
0x4f: {  	v10 =	vld [tilespmem:s30+$0x0];
	_ =	sdelay $0x2  }
0x50: {  	s20 =	simm.s32 $0x0  }
0x51: {  	v11 =	vor.u32 s20, v3  }
0x52: {  	vm12 =	vlt.u32 v11, $0xC35;
	vm13 =	vgt.s32 v10, $0x0  }
0x53: {  	vm1 =	vmand vm12, vm13  }
0x54: {  	v57 =	vsel vm1, $0x1, v2  }
0x55: {  	(xrf0) =	vadd.scan.msk.s32 $0xffff, v57;
	_ =	sdelay $0x2  }
0x56: {  	v58 =	vmov s20;
	s19 =	simm.s32 $0xC35  }
0x57: {  	v12 =	vadd.s32 $0xFFFFFFFF, v58;
	v59 =	vmov s19  }
0x58: {  	v12 =	vbroadcast v12, $0x0;
	vm14 =	vlt.s32 v59, v5  }
0x59: {  	v61 =	vsel vm14, s19, v5;
	v60, _, _ =	vpop (xrf0)  }
0x5a: {  	vm15 =	veq.s32 v10, $0x0;
	v62 =	vadd.s32 v60, v12;
	(v2sf) =	vpush v60, $0xF  }
0x5b: {  	vm0 =	vmand vm12, vm15;
	v12 =	vadd.s32 v61, v12  }
0x5c: {  	v12 =	vsub.s32 v12, v60;
	_ =	sdelay $0x1  }
0x5d: {  	v11 =	vadd.s32 v0, v11  }
0x5e: {  	v10 =	vadd.s32 $0xFFFFFFFF, v10;
	[tilespmem:v62+s9+$0x0] =	vst.idx.msk vm1, v11  }
0x5f: {  	[tilespmem:v62+s10+$0x0] =	vst.idx.msk vm1, v10  }
0x60: {  	s18 =	simm.s32 $0xC25;
	s23 =	simm.s32 $0xC390;
	[tilespmem:v12+s11+$0x0] =	vst.idx.msk vm0, v11  }
0x61: {  	s24 =	simm.s32 $0xC15;
	s22 =	simm.s32 $0x0;
	s21 =	simm.s32 $0x0;
	v10 =	vld [tilespmem:s23+$0x0]  }
.LBB2_8:
0x62: {  	p0 =	sne.s32 s24, $0x5  }
0x63: {  	s20 =	sadd.s32 $0x10, s20  }
0x64: {  	v11 =	vor.u32 s20, v3  }
0x65: {  	vm1 =	vlt.u32 v11, $0xC35  }
0x66: {  	vm0 =	vgt.s32 v10, $0x0;
	vm2 =	veq.s32 v10, $0x0;
	v10 =	vadd.s32 $0xFFFFFFFF, v10  }
0x67: {  	s25 =	smin.u32 s19, $0x10;
	s19 =	smov.u32 s18;
	s18 =	smov.u32 s24;
	vm0 =	vmand vm1, vm0  }
0x68: {  	s22 =	sadd.s32 s22, s25;
	v12 =	vsel vm0, $0x1, v2;
	s25 =	spop (v2sf)  }
0x69: {  	(xrf0) =	vadd.scan.msk.s32 $0xffff, v12;
	s21 =	sadd.s32 s21, s25;
	s22 =	ssub.s32 s22, s25  }
0x6a: {  	v12 =	vmov s21  }
0x6b: {  	v13 =	vmov s22;
	v12 =	vadd.s32 $0xFFFFFFFF, v12  }
0x6c: {  	v14 =	vmov s19;
	v13 =	vadd.s32 $0xFFFFFFFF, v13;
	v12 =	vbroadcast v12, $0x0  }
0x6d: {  	vm3 =	vlt.s32 v14, v5;
	v13 =	vbroadcast v13, $0x0  }
0x6e: {  	v15 =	vsel vm3, s19, v5  }
0x6f: {  	v13 =	vadd.s32 v15, v13;
	v14, _, _ =	vpop (xrf0)  }
0x70: {  	v12 =	vadd.s32 v14, v12;
	v13 =	vsub.s32 v13, v14;
	(v2sf) =	vpush v14, $0xF  }
0x71: {  	vm1 =	vmand vm1, vm2;
	_ =	sdelay $0x2  }
.Ltmp5:
0x72: {  	v11 =	vadd.s32 v0, v11;
	(pc) =	sbr.rel @p0 .LBB2_8-.Ltmp5, $4  }
0x73: {  	[tilespmem:v12+s9+$0x0] =	vst.idx.msk vm0, v11  }
0x74: {  	[tilespmem:v12+s10+$0x0] =	vst.idx.msk vm0, v10  }
0x75: {  	s23 =	sadd.s32 $0x10, s23;
	[tilespmem:v13+s11+$0x0] =	vst.idx.msk vm1, v11  }
0x76: {  	s24 =	sadd.s32 $0xFFFFFFF0, s24;
	v10 =	vld [tilespmem:s23+$0x0]  }
0x77: {  	_ =	sdelay $0x1  }
0x78: {  	s20 =	sadd.s32 $0x10, s20  }
0x79: {  	v11 =	vor.u32 s20, v3  }
0x7a: {  	vm1 =	vlt.u32 v11, $0xC35;
	vm0 =	vgt.s32 v10, $0x0  }
0x7b: {  	vm0 =	vmand vm1, vm0  }
0x7c: {  	v12 =	vsel vm0, $0x1, v2  }
0x7d: {  	(xrf0) =	vadd.scan.msk.s32 $0xffff, v12;
	_ =	sdelay $0x5  }
0x7e: {  	v12, _, _ =	vpop (xrf0)  }
0x7f: {  	(v2sf) =	vpush v12, $0xF;
	_ =	sdelay $0xa  }
0x80: {  	s19 =	smin.u32 s19, $0x10;
	s29 =	spop (v2sf)  }
0x81: {  	s19 =	sadd.s32 s22, s19;
	s21 =	sadd.s32 s21, s29  }
0x82: {  	v15 =	vmov s18;
	s19 =	ssub.s32 s19, s29;
	v13 =	vmov s21  }
0x83: {  	s30 =	smin.u32 s18, $0x10;
	vm2 =	vlt.s32 v15, v5;
	v14 =	vmov s19;
	v13 =	vadd.s32 $0xFFFFFFFF, v13  }
0x84: {  	v15 =	vsel vm2, s18, v5;
	s18 =	sadd.s32 s19, s30;
	v14 =	vadd.s32 $0xFFFFFFFF, v14;
	v13 =	vbroadcast v13, $0x0;
	s31 =	spop (v2sf)  }
0x85: {  	v14 =	vbroadcast v14, $0x0;
	s22 =	ssub.s32 s18, s31  }
0x86: {  	vm3 =	veq.s32 v10, $0x0;
	v13 =	vadd.s32 v12, v13;
	p0 =	slt.s32 s22, $0x1;
	s18 =	sand.u32 $0x7F, s22  }
0x87: {  	vm1 =	vmand vm1, vm3;
	v14 =	vadd.s32 v15, v14;
	p1 =	seq.s32 @!p0 s18, $0x0  }
0x88: {  	v12 =	vsub.s32 v14, v12;
	p0 =	por p0, p1  }
.Ltmp6:
0x89: {  	_ = 	snop;
	(pc) =	sbr.rel @p0 .LBB2_13-.Ltmp6, $4  }
0x8a: {  	v11 =	vadd.s32 v0, v11  }
0x8b: {  	v10 =	vadd.s32 $0xFFFFFFFF, v10;
	[tilespmem:v13+s9+$0x0] =	vst.idx.msk vm0, v11  }
0x8c: {  	[tilespmem:v13+s10+$0x0] =	vst.idx.msk vm0, v10  }
0x8d: {  	[tilespmem:v12+s11+$0x0] =	vst.idx.msk vm1, v11;
	s20 =	sadd.s32 s21, s31;
	s18 =	sadd.s32 $0x7F, s22  }
0x8e: {  	s21 =	sand.u32 $0xFFFFFF80, s18  }
0x8f: {  	s19 =	sadd.s32 $0xEF80, s21  }
0x90: {  	v11 =	vld [tilespmem:$0xF000];
	v10 =	vmov s19;
	_ =	sdelay $0x3  }
0x91: {  	s19 =	simm.s32 $0x0  }
0x92: {  	v12 =	vmov s22;
	s22 =	simm.s32 $0x10;
	s21 =	sadd.s32 $0xFFFFFF80, s21;
	v11 =	vperm.xlane v11, v2;
	v13 =	vld.idx.msk [tilespmem:v10+s19+$0x0 ss:$0x1], $0xffff  }
.LBB2_11:
0x93: {  	p0 =	sne.s32 s22, $0x70;
	_ =	sdelay $0x1  }
0x94: {  	s23 =	sor.u32 s21, s19  }
.Ltmp7:
0x95: {  	v14 =	vor.u32 s23, v3;
	(pc) =	sbr.rel @p0 .LBB2_11-.Ltmp7, $4  }
0x96: {  	vm0 =	vlt.s32 v14, v12  }
0x97: {  	v13 =	vsel vm0, v13, v11  }
0x98: {  	[tilespmem:v10+s19+$0x0 ss:$0x1] =	vst.idx.msk $0xffff, v13;
	s19 =	smov.u32 s22  }
0x99: {  	s22 =	sadd.s32 $0x10, s22;
	v13 =	vld.idx.msk [tilespmem:v10+s19+$0x0 ss:$0x1], $0xffff  }
0x9a: {  	_ = 	snop  }
0x9b: {  	s21 =	sor.u32 s21, s19  }
0x9c: {  	v14 =	vor.u32 s21, v3  }
0x9d: {  	vm0 =	vlt.s32 v14, v12  }
0x9e: {  	v11 =	vsel vm0, v13, v11  }
0x9f: {  	[tilespmem:v10+s19+$0x0 ss:$0x1] =	vst.idx.msk $0xffff, v11  }
.LBB2_13:
0xa0: {  	s18 =	sshra.s32 s18, $0x7  }
0xa1: {  	p0 =	slt.s32 s18, $0x1  }
.Ltmp8:
0xa2: {  	_ = 	snop;
	(pc) =	sbr.rel @p0 .LBB2_16-.Ltmp8, $2  }
0xa3: {  	_ =	sdelay $0x2  }
0xa4: {  	s19 =	simm.s32 $0xF000  }
0xa5: {  	p1 =	sne.s32 s18, $0x1  }
.Ltmp9:
0xa6: {  	_ = 	snop;
	(pc) =	sbr.rel @!p1 .LBB2_16-.Ltmp9, $3  }
0xa7: {  	_ =	sdelay $0x1  }
0xa8: {  	[hbm4b:s4+s12] =	stream.indirect.scatter [tilespmem:s13], [sflag:$0x6], $0x80, s19, s12, $0xb8;
	v63 =	vld [tilespmem:$0x0]  }
0xa9: {  	s21 =	sadd.s32 $0xFFFFFFFF, s18  }
.LBB2_15:
0xaa: {  	p1 =	sne.s32 s21, $0x1  }
.Ltmp10:
0xab: {  	_ = 	snop;
	(pc) =	sbr.rel @p1 .LBB2_15-.Ltmp10, $3  }
0xac: {  	_ = 	snop  }
0xad: {  	s21 =	sadd.s32 $0xFFFFFFFF, s21;
	s19 =	sadd.s32 $0x80, s19;
	_ =	sdelay $0x1  }
0xae: {  	[hbm4b:s4+s12] =	stream.indirect.scatter [tilespmem:s13], [sflag:$0x6], $0x80, s19, s12, $0xb8;
	v63 =	vld [tilespmem:$0x0]  }
.LBB2_16:
0xaf: {  	p1 =	slt.s32 s20, $0x1;
	s19 =	sand.u32 $0x7F, s20  }
0xb0: {  	p2 =	seq.s32 @!p1 s19, $0x0  }
0xb1: {  	p1 =	por p1, p2  }
.Ltmp11:
0xb2: {  	_ = 	snop;
	(pc) =	sbr.rel @p1 .LBB2_22-.Ltmp11, $2  }
0xb3: {  	_ =	sdelay $0x2  }
0xb4: {  	s19 =	sadd.s32 $0x7F, s20  }
0xb5: {  	s21 =	sshll.u32 s19, $0x2  }
0xb6: {  	s21 =	sshra.s32 s21, $0x2  }
0xb7: {  	s22 =	sand.u32 $0xFFFFFF80, s21  }
0xb8: {  	s21 =	sadd.s32 $0xD000, s22  }
0xb9: {  	v11 =	vmov s21;
	_ =	sdelay $0x2  }
0xba: {  	v10 =	vld [tilespmem:$0xD000]  }
0xbb: {  	s23 =	simm.s32 $0xFFFFFF80  }
0xbc: {  	v12 =	vld.idx.msk [tilespmem:v11+s23+$0x0 ss:$0x1], $0xffff  }
0xbd: {  	s31 =	sand.u32 $0xFFFFFF80, s19  }
0xbe: {  	s21 =	sadd.s32 $0xFFFFFF80, s31  }
0xbf: {  	v13 =	vperm.xlane v10, v2;
	v10 =	vmov s20;
	v14 =	vor.u32 s21, v3  }
0xc0: {  	vm0 =	vlt.s32 v14, v10  }
0xc1: {  	v12 =	vsel vm0, v12, v13  }
0xc2: {  	s24 =	simm.s32 $0xFFFFFE80;
	s20 =	simm.s32 $0xFFFFFF90;
	[tilespmem:v11+s23+$0x0 ss:$0x1] =	vst.idx.msk $0xffff, v12;
	s23 =	smov.u32 s21  }
.LBB2_18:
0xc3: {  	p1 =	sne.s32 s24, $0xFFFFFFC0;
	v12 =	vld.idx.msk [tilespmem:v11+s20+$0x0 ss:$0x1], $0xffff;
	_ =	sdelay $0x2  }
.Ltmp12:
0xc4: {  	s23 =	sadd.s32 $0x10, s23;
	(pc) =	sbr.rel @p1 .LBB2_18-.Ltmp12, $4  }
0xc5: {  	v14 =	vor.u32 s23, v3  }
0xc6: {  	vm1 =	vlt.s32 v14, v10  }
0xc7: {  	v12 =	vsel vm1, v12, v13  }
0xc8: {  	[tilespmem:v11+s20+$0x0 ss:$0x1] =	vst.idx.msk $0xffff, v12;
	s20 =	sshra.s32 s24, $0x2;
	s24 =	sadd.s32 $0x40, s24  }
0xc9: {  	_ =	sdelay $0x3  }
0xca: {  	v14 =	vld.idx.msk [tilespmem:v11+s20+$0x0 ss:$0x1], $0xffff;
	_ =	sdelay $0x1  }
0xcb: {  	s23 =	sadd.s32 $0x10, s23  }
0xcc: {  	s22 =	sadd.s32 $0xE000, s22;
	v12 =	vor.u32 s23, v3  }
0xcd: {  	vm1 =	vlt.s32 v12, v10;
	v12 =	vmov s22  }
0xce: {  	v13 =	vsel vm1, v14, v13  }
0xcf: {  	[tilespmem:v11+s20+$0x0 ss:$0x1] =	vst.idx.msk $0xffff, v13  }
0xd0: {  	v11 =	vld [tilespmem:$0xE000]  }
0xd1: {  	s31 =	simm.s32 $0xFFFFFF80  }
0xd2: {  	v13 =	vld.idx.msk [tilespmem:v12+s31+$0x0 ss:$0x1], $0xffff;
	_ =	sdelay $0x2  }
0xd3: {  	v11 =	vperm.xlane v11, v2;
	_ =	sdelay $0x1  }
0xd4: {  	v13 =	vsel vm0, v13, v11  }
0xd5: {  	s22 =	simm.s32 $0xFFFFFE80;
	s20 =	simm.s32 $0xFFFFFF90;
	[tilespmem:v12+s31+$0x0 ss:$0x1] =	vst.idx.msk $0xffff, v13  }
.LBB2_20:
0xd6: {  	p1 =	seq.s32 s22, $0xFFFFFFC0;
	v13 =	vld.idx.msk [tilespmem:v12+s20+$0x0 ss:$0x1], $0xffff;
	_ =	sdelay $0x2  }
.Ltmp13:
0xd7: {  	s21 =	sadd.s32 $0x10, s21;
	(pc) =	sbr.rel @!p1 .LBB2_20-.Ltmp13, $4  }
0xd8: {  	v14 =	vor.u32 s21, v3  }
0xd9: {  	vm0 =	vlt.s32 v14, v10  }
0xda: {  	v13 =	vsel vm0, v13, v11  }
0xdb: {  	[tilespmem:v12+s20+$0x0 ss:$0x1] =	vst.idx.msk $0xffff, v13;
	s20 =	sshra.s32 s22, $0x2;
	s22 =	sadd.s32 $0x40, s22  }
0xdc: {  	_ =	sdelay $0x3  }
0xdd: {  	v13 =	vld.idx.msk [tilespmem:v12+s20+$0x0 ss:$0x1], $0xffff;
	_ =	sdelay $0x1  }
0xde: {  	s21 =	sadd.s32 $0x10, s21  }
0xdf: {  	v14 =	vor.u32 s21, v3  }
0xe0: {  	vm0 =	vlt.s32 v14, v10  }
0xe1: {  	v10 =	vsel vm0, v13, v11  }
0xe2: {  	[tilespmem:v12+s20+$0x0 ss:$0x1] =	vst.idx.msk $0xffff, v10  }
.LBB2_22:
0xe3: {  	s19 =	sshra.s32 s19, $0x7  }
0xe4: {  	p1 =	slt.s32 s19, $0x1  }
.Ltmp14:
0xe5: {  	_ = 	snop;
	(pc) =	sbr.rel @p1 .LBB2_26-.Ltmp14, $1  }
0xe6: {  	_ =	sdelay $0x3  }
0xe7: {  	s0 =	simm.s32 $0x10000;
	p1 =	seq.s32 s19, $0x1  }
0xe8: {  	[tilespmem:s0], [sflag:$0x2] =	stream.indirect.gather [hbm4b:s1+s12], $0x80, s10, s12, $0xb8;
	v63 =	vld [tilespmem:$0x0]  }
0xe9: {  	s21 =	simm.s32 $0x0;
	s20 =	simm.s32 @!p1 $0x80  }
0xea: {  	s22 =	simm.s32 @!p1 $0xE080;
	s23 =	simm.s32 @!p1 $0x14000;
	s21 =	smulhi.u32 $0xAAAAAAAB, s21  }
0xeb: {  	[tilespmem:s23], [sflag:$0x3] =	stream.indirect.gather @!p1 [hbm4b:s1+s20], $0x80, s22, s20, $0xb8;
	v63 =	vld [tilespmem:$0x0]  }
0xec: {  	s25 =	simm.s32 $0x2;
	s26 =	sshrl.u32 s21, $0x1  }
0xed: {  	p2 =	por $0x1, $0x1;
	p3 =	sle.s32 s19, $0x2;
	s24 =	smul.u32 $0xFFFFFFF4, s26  }
0xee: {  	s25 =	smulhi.u32 $0xAAAAAAAB, s25;
	s29 =	simm.s32 @!p2 $0x5;
	s21 =	simm.s32 $0xD000  }
0xef: {  	s20 =	simm.s32 $0xE100;
	s22 =	simm.s32 $0x1;
	s24 =	sshra.s32 s24, $0x2  }
0xf0: {  	s25 =	sshrl.u32 s25, $0x1;
	s28 =	smul.u32 $0xFFFD0000, s26;
	s24 =	sadd.s32 $0x2, s24  }
0xf1: {  	p1 =	sne.s32 s19, $0x1;
	s26 =	smul.u32 $0xFFFFFFF4, s25;
	_ =	swait.ge [sflag:s24], $0x4000  }
0xf2: {  	s23 =	simm.s32 $0x14000;
	s30 =	smul.u32 $0xFFFD0000, s25;
	[sflag:s24] =	ssyncset.done $0x0  }
0xf3: {  	s25 =	simm.s32 $0x1C000;
	s26 =	sshra.s32 s26, $0x2;
	[sflag:s24] =	ssyncadd.s32 $0xFFFFC000  }
0xf4: {  	s30 =	sshra.s32 s30, $0x2;
	s26 =	sadd.s32 $0x4, s26;
	_ =	swait.ge @!p2 [sflag:s29], $0x4000  }
.Ltmp15:
0xf5: {  	s24 =	simm.s32 $0xFFFFFFFF;
	[sflag:s29] =	ssyncset.done @!p2 $0x0;
	(pc) =	sbr.rel @!p1 .LBB2_25-.Ltmp15, $4  }
0xf6: {  	[sflag:s29] =	ssyncadd.s32 @!p2 $0xFFFFC000;
	s29 =	sadd.s32 $0x18000, s30;
	s30 =	simm.s32 @!p3 $0x80  }
0xf7: {  	[tilespmem:s29], [sflag:s26] =	stream.indirect.gather @!p3 [hbm4b:s1+s30], $0x80, s20, s30, $0xb8;
	v63 =	vld [tilespmem:$0x0]  }
0xf8: {  	s26 =	simm.s32 $0x3;
	s30 =	sshra.s32 s28, $0x2;
	s28 =	simm.s32 $0x5  }
0xf9: {  	s29 =	simm.s32 $0x3;
	s31 =	sadd.s32 $0x10000, s30;
	s30 =	simm.s32 $0xD000  }
.LBB2_24:
0xfa: {  	s30 =	sadd.s32 $0x80, s30;
	s20 =	sadd.s32 $0x80, s20;
	s2 =	smov.u32 s22  }
0xfb: {  	s22 =	sadd.s32 $0x1, s22;
	s0 =	smov.u32 s23;
	s14 =	smov.u32 s24  }
0xfc: {  	[hbm4b:s4+s12] =	stream.indirect.scatter [tilespmem:s31], [sflag:$0x5], $0x80, s21, s12, $0xb8;
	v63 =	vld [tilespmem:$0x0]  }
0xfd: {  	s31 =	smulhi.u32 $0xAAAAAAAB, s2;
	p1 =	sne.s32 s22, s19;
	s21 =	smov.u32 s30  }
0xfe: {  	s3 =	smov.u32 s25;
	s6 =	smov.u32 s26;
	s15 =	smov.u32 s28  }
0xff: {  	s31 =	sshrl.u32 s31, $0x1  }
0x100: {  	s23 =	sadd.s32 $0x4000, s23;
	s5 =	smul.u32 $0xFFFFFFF4, s31  }
0x101: {  	s24 =	sadd.s32 $0xFFFFFFFF, s24;
	s25 =	sadd.s32 $0x4000, s25;
	s31 =	smul.u32 $0xFFFD0000, s31  }
0x102: {  	s26 =	sadd.s32 $0x1, s26;
	s7 =	smulhi.u32 $0xAAAAAAAB, s29;
	s5 =	sshra.s32 s5, $0x2  }
0x103: {  	s28 =	sadd.s32 $0x1, s28;
	s5 =	sadd.s32 s5, s6;
	s6 =	sshra.s32 s31, $0x2  }
0x104: {  	s29 =	sadd.s32 $0x1, s29;
	s7 =	sshrl.u32 s7, $0x1;
	_ =	swait.ge [sflag:s5], $0x4000  }
0x105: {  	p2 =	seq.s32 s14, $0x0;
	s14 =	smul.u32 $0xFFFFFFF4, s7;
	[sflag:s5] =	ssyncset.done $0x0  }
0x106: {  	s7 =	smul.u32 $0xFFFD0000, s7;
	[sflag:s5] =	ssyncadd.s32 $0xFFFFC000;
	s5 =	simm.s32 @!p2 $0x5  }
.Ltmp16:
0x107: {  	s2 =	sadd.s32 $0x2, s2;
	_ =	swait.ge @!p2 [sflag:s5], $0x4000;
	(pc) =	sbr.rel @p1 .LBB2_24-.Ltmp16, $4  }
0x108: {  	p3 =	sge.s32 s2, s19;
	s14 =	sshra.s32 s14, $0x2;
	[sflag:s5] =	ssyncset.done @!p2 $0x0  }
0x109: {  	s7 =	sshra.s32 s7, $0x2;
	s2 =	sadd.s32 s14, s15;
	[sflag:s5] =	ssyncadd.s32 @!p2 $0xFFFFC000  }
0x10a: {  	s3 =	sadd.s32 s7, s3;
	s31 =	sadd.s32 s6, s0;
	s0 =	simm.s32 @!p3 $0x80  }
0x10b: {  	[tilespmem:s3], [sflag:s2] =	stream.indirect.gather @!p3 [hbm4b:s1+s0], $0x80, s20, s0, $0xb8;
	v63 =	vld [tilespmem:$0x0]  }
.LBB2_25:
0x10c: {  	[hbm4b:s4+s12] =	stream.indirect.scatter [tilespmem:s31], [sflag:$0x5], $0x80, s21, s12, $0xb8;
	v63 =	vld [tilespmem:$0x0]  }
0x10d: {  	s0 =	simm.s32 $0x5  }
0x10e: {  	_ =	swait.ge [sflag:s0], $0x4000  }
0x10f: {  	[sflag:s0] =	ssyncset.done $0x0  }
0x110: {  	[sflag:s0] =	ssyncadd.s32 $0xFFFFC000  }
.LBB2_26:
.Ltmp17:
0x111: {  	(pc) =	sbr.rel @p0 .LBB2_30-.Ltmp17, $1  }
0x112: {  	_ =	sdelay $0x3  }
0x113: {  	p0 =	sne.s32 s18, $0x1  }
.Ltmp18:
0x114: {  	_ = 	snop;
	(pc) =	sbr.rel @!p0 .LBB2_29-.Ltmp18, $3  }
0x115: {  	_ =	sdelay $0x1  }
0x116: {  	_ =	swait.ge [sflag:s16], $0x4000  }
0x117: {  	s18 =	sadd.s32 $0xFFFFFFFF, s18;
	[sflag:s16] =	ssyncset.done $0x0  }
.LBB2_28:
0x118: {  	p0 =	sne.s32 s18, $0x1;
	s18 =	sadd.s32 $0xFFFFFFFF, s18;
	[sflag:s16] =	ssyncadd.s32 $0xFFFFC000  }
.Ltmp19:
0x119: {  	(pc) =	sbr.rel @p0 .LBB2_28-.Ltmp19, $3  }
0x11a: {  	_ =	sdelay $0x1  }
0x11b: {  	_ =	swait.ge [sflag:s16], $0x4000  }
0x11c: {  	[sflag:s16] =	ssyncset.done $0x0  }
.Ltmp20:
0x11d: {  	_ = 	snop;
	(pc) =	sbr.rel .LBB2_29-.Ltmp20, $1  }
0x11e: {  	_ =	sdelay $0x3  }
.LBB2_31:
0x11f: {  	_ =	sfence.sel $0x180000  }
0x120: {  	[bflag:$0x0] =	sbarrier.arrive $0xFFFF  }
0x121: {  	_ =	strace $0x90000047  }
0x122: {  	s0 =	stileid.u32;
	[bflag:$0x2] =	sbarrier.arrive $0xFFFF  }
0x123: {  	p0 =	sne.s32 s0, $0x0;
	s0 =	rddreg [dreg:$0x3]  }
0x124: {  	s0 =	sadd.s32 @!p0 $0x100000, s0  }
0x125: {  	[sflag:s0] =	ssyncadd.tile.s32 @!p0 $0x1;
	_ =	shalt  }
.Lfunc_end2:
_tile_overlayer_lowered:
.L_overlay_start_2:
0x126: {  	(tag) =	ssettag $0x2  }
0x127: {  	s0 =	rddreg [dreg:$0x0];
	s2 =	stileid.u32  }
0x128: {  	s1 =	rddreg [dreg:$0x1];
	p0 =	sne.s32 s2, $0x0  }
0x129: {  	s3 =	rddreg [dreg:$0x2];
	[bflag:$0x3] =	sbarrier.arrive $0xFFFF;
	s2 =	simm.s32 @!p0 $0x1C07  }
0x12a: {  	[timem:s3], [sflag:s2] =	dma.local @!p0 [hbm:s0], s1  }
0x12b: {  	s0 =	simm.s32 @!p0 $0x7  }
0x12c: {  	_ =	swait.ge @!p0 [sflag:s0], s1  }
0x12d: {  	s1 =	ssub.s32 @!p0 $0x0, s1;
	[sflag:s0] =	ssyncset.done @!p0 $0x0  }
0x12e: {  	[sflag:s0] =	ssyncadd.s32 @!p0 s1  }
0x12f: {  	[bflag:$0x3] =	sbarrier.arrive $0xFFFF  }
0x130: {  	_ =	shalt  }

</sc_bundles>
